<compile_context>
chip_gen: v7x
topology: tpu7x:2x2x1
jax: 0.10.2.dev20260603
libtpu: 0.0.44.dev20260713+nightly
codegen_flags: <defaults>
</compile_context>

<pallas_src>
import functools

import jax
import jax.numpy as jnp
from jax import lax
from jax.experimental import pallas as pl
from jax.experimental.pallas import tpu as pltpu
from jax.experimental.pallas import tpu_sc as plsc

N = 10000
E = 320000
D = 128

NC = 2
NS = 16
NW = NC * NS

EPT = E // NW
C = 125
CHUNKS = EPT // C
NP = 10240
RPT = NP // NS

def _deg_body(idx_hbm, ones_hbm, zeros_hbm,
                odeg_hbm, ideg_hbm,
                idx_v, ones_v, odeg_s, ideg_s, psem, ssem):
    cid = lax.axis_index("c")
    sid = lax.axis_index("s")
    wid = cid * NS + sid

    cps = [
        pltpu.async_copy(idx_hbm.at[0, wid], idx_v.at[0], psem),
        pltpu.async_copy(idx_hbm.at[1, wid], idx_v.at[1], psem),
        pltpu.async_copy(ones_hbm, ones_v, psem),
        pltpu.async_copy(zeros_hbm.at[pl.ds(sid * RPT, RPT)],
                         odeg_s.at[pl.ds(sid * RPT, RPT)], psem),
        pltpu.async_copy(zeros_hbm.at[pl.ds(sid * RPT, RPT)],
                         ideg_s.at[pl.ds(sid * RPT, RPT)], psem),
    ]
    for cp in cps:
        cp.wait()
    plsc.subcore_barrier()

    @pl.loop(0, CHUNKS, step=4)
    def step(p):
        fired = []
        for q in range(4):
            fired.append(pltpu.async_copy(
                ones_v, odeg_s.at[idx_v.at[0, p + q]], ssem, add=True))
            fired.append(pltpu.async_copy(
                ones_v, ideg_s.at[idx_v.at[1, p + q]], ssem, add=True))
        for cp in fired:
            cp.wait()

    plsc.subcore_barrier()

    pltpu.sync_copy(odeg_s.at[pl.ds(sid * RPT, RPT)],
                    odeg_hbm.at[cid, pl.ds(sid * RPT, RPT)])
    pltpu.sync_copy(ideg_s.at[pl.ds(sid * RPT, RPT)],
                    ideg_hbm.at[cid, pl.ds(sid * RPT, RPT)])


def _agg_body(hw_hbm, idx_hbm, zeros_hbm, out_hbm,
                sidx_a, sidx_b, didx_a, didx_b, rows_a, rows_b, acc_s,
                psem, isem_a, isem_b, gsem_a, gsem_b):
    cid = lax.axis_index("c")
    sid = lax.axis_index("s")
    wid = cid * NS + sid

    def stage(chunk, sbuf, dbuf, sem):
        pltpu.async_copy(idx_hbm.at[0, wid, chunk], sbuf, sem)
        pltpu.async_copy(idx_hbm.at[1, wid, chunk], dbuf, sem)

    def stage_wait(chunk, sbuf, dbuf, sem):
        pltpu.make_async_copy(idx_hbm.at[0, wid, chunk], sbuf, sem).wait()
        pltpu.make_async_copy(idx_hbm.at[1, wid, chunk], dbuf, sem).wait()

    zcp = pltpu.async_copy(zeros_hbm.at[pl.ds(sid * RPT, RPT)],
                           acc_s.at[pl.ds(sid * RPT, RPT)], psem)
    stage(0, sidx_a, didx_a, isem_a)
    stage_wait(0, sidx_a, didx_a, isem_a)
    pltpu.async_copy(hw_hbm.at[sidx_a], rows_a, gsem_a)
    stage(1, sidx_b, didx_b, isem_b)
    zcp.wait()
    plsc.subcore_barrier()

    @pl.loop(0, CHUNKS - 2, step=2)
    def pair(p):
        pltpu.make_async_copy(hw_hbm.at[sidx_a], rows_a, gsem_a).wait()
        stage_wait(p + 1, sidx_b, didx_b, isem_b)
        pltpu.async_copy(hw_hbm.at[sidx_b], rows_b, gsem_b)
        pltpu.sync_copy(rows_a, acc_s.at[didx_a], add=True)
        stage(p + 2, sidx_a, didx_a, isem_a)
        pltpu.make_async_copy(hw_hbm.at[sidx_b], rows_b, gsem_b).wait()
        stage_wait(p + 2, sidx_a, didx_a, isem_a)
        pltpu.async_copy(hw_hbm.at[sidx_a], rows_a, gsem_a)
        pltpu.sync_copy(rows_b, acc_s.at[didx_b], add=True)
        stage(p + 3, sidx_b, didx_b, isem_b)

    p = CHUNKS - 2
    pltpu.make_async_copy(hw_hbm.at[sidx_a], rows_a, gsem_a).wait()
    stage_wait(p + 1, sidx_b, didx_b, isem_b)
    pltpu.async_copy(hw_hbm.at[sidx_b], rows_b, gsem_b)
    pltpu.sync_copy(rows_a, acc_s.at[didx_a], add=True)
    pltpu.make_async_copy(hw_hbm.at[sidx_b], rows_b, gsem_b).wait()
    pltpu.sync_copy(rows_b, acc_s.at[didx_b], add=True)

    plsc.subcore_barrier()

    pltpu.sync_copy(acc_s.at[pl.ds(sid * RPT, RPT)],
                    out_hbm.at[cid, pl.ds(sid * RPT, RPT)])


@functools.cache
def _sc_kernels():
    mesh = plsc.VectorSubcoreMesh(core_axis_name="c", subcore_axis_name="s",
                                  num_cores=NC, num_subcores=NS)
    deg = pl.kernel(
        _deg_body,
        out_type=[
            jax.ShapeDtypeStruct((NC, NP, 16), jnp.float32),
            jax.ShapeDtypeStruct((NC, NP, 16), jnp.float32),
        ],
        mesh=mesh,
        scratch_types=[
            pltpu.VMEM((2, CHUNKS, C), jnp.int32),
            pltpu.VMEM((C, 16), jnp.float32),
            pltpu.VMEM_SHARED((NP, 16), jnp.float32),
            pltpu.VMEM_SHARED((NP, 16), jnp.float32),
            pltpu.SemaphoreType.DMA,
            pltpu.SemaphoreType.DMA,
        ],
        compiler_params=pltpu.CompilerParams(use_tc_tiling_on_sc=False),
    )
    agg = pl.kernel(
        _agg_body,
        out_type=jax.ShapeDtypeStruct((NC, NP, D), jnp.float32),
        mesh=mesh,
        scratch_types=[
            pltpu.VMEM((C,), jnp.int32),
            pltpu.VMEM((C,), jnp.int32),
            pltpu.VMEM((C,), jnp.int32),
            pltpu.VMEM((C,), jnp.int32),
            pltpu.VMEM((C, D), jnp.float32),
            pltpu.VMEM((C, D), jnp.float32),
            pltpu.VMEM_SHARED((NP, D), jnp.float32),
            pltpu.SemaphoreType.DMA,
            pltpu.SemaphoreType.DMA,
            pltpu.SemaphoreType.DMA,
            pltpu.SemaphoreType.DMA,
            pltpu.SemaphoreType.DMA,
        ],
        compiler_params=pltpu.CompilerParams(use_tc_tiling_on_sc=False),
    )
    return deg, agg


_TC_BLK = 1000


def _hw_body(h_ref, w_ref, od_ref, o_ref):
    deg = od_ref[0] + od_ref[1]
    norm = lax.rsqrt(jnp.clip(deg[:, 0:1], 1.0, None))
    o_ref[...] = jnp.dot(h_ref[...] * norm, w_ref[...],
                         preferred_element_type=jnp.float32)


def _final_body(p_ref, id_ref, b_ref, o_ref):
    agg = p_ref[0] + p_ref[1]
    deg = id_ref[0] + id_ref[1]
    norm = lax.rsqrt(jnp.clip(deg[:, 0:1], 1.0, None))
    x = agg * norm + b_ref[...]
    o_ref[...] = jnp.where(x >= 0, x, 0.01 * x)


_hw_call = pl.pallas_call(
    _hw_body,
    grid=(N // _TC_BLK,),
    in_specs=[
        pl.BlockSpec((_TC_BLK, D), lambda i: (i, 0)),
        pl.BlockSpec((D, D), lambda i: (0, 0)),
        pl.BlockSpec((NC, _TC_BLK, 16), lambda i: (0, i, 0)),
    ],
    out_specs=pl.BlockSpec((_TC_BLK, D), lambda i: (i, 0)),
    out_shape=jax.ShapeDtypeStruct((N, D), jnp.float32),
)

_final_call = pl.pallas_call(
    _final_body,
    grid=(N // _TC_BLK,),
    in_specs=[
        pl.BlockSpec((NC, _TC_BLK, D), lambda i: (0, i, 0)),
        pl.BlockSpec((NC, _TC_BLK, 16), lambda i: (0, i, 0)),
        pl.BlockSpec((1, D), lambda i: (0, 0)),
    ],
    out_specs=pl.BlockSpec((_TC_BLK, D), lambda i: (i, 0)),
    out_shape=jax.ShapeDtypeStruct((N, D), jnp.float32),
)


def kernel(h, edge_index, W, b):
    eidx = edge_index.reshape(2, NW, CHUNKS, C)
    ones16 = jnp.ones((C, 16), jnp.float32)
    zeros16 = jnp.zeros((NP, 16), jnp.float32)
    zerosD = jnp.zeros((NP, D), jnp.float32)

    deg_kernel, agg_kernel = _sc_kernels()
    odeg_p, ideg_p = deg_kernel(eidx, ones16, zeros16)
    hw = _hw_call(h, W, odeg_p)
    partials = agg_kernel(hw, eidx, zerosD)
    return _final_call(partials, ideg_p, b.reshape(1, D))

# --- scband reference (transcript-rebuilt; emitter-appended) ---
"""Pipeline reference for scband-gcnlayer-37469294691137 (READ-ONLY COPY).

The authoritative reference and input builder live on the scoring server;
editing this copy changes nothing except your own understanding.
"""

import jax, jax.numpy as jnp
import numpy as np

N = 10000
E = 320000
D_IN = 128
D_OUT = 128


def setup_inputs(seed: int = 0) -> dict:
    key = jax.random.key(seed)
    k1, k2, k3 = jax.random.split(key, 3)
    h = jax.random.normal(k1, (N, D_IN), dtype=jnp.float32)
    edge_index = jax.random.randint(k2, (2, E), 0, N, dtype=jnp.int32)
    # Learned params for GraphConv(in_dim=128, out_dim=128), glorot-ish init
    W = jax.random.normal(k3, (D_IN, D_OUT), dtype=jnp.float32) * (1.0 / np.sqrt(D_IN))
    b = jnp.zeros((D_OUT,), dtype=jnp.float32)
    return {"h": h, "edge_index": edge_index, "W": W, "b": b}


def reference(h, edge_index, W, b):
    # DGL GraphConv with norm='both', allow_zero_in_degree=True,
    # followed by LeakyReLU (slope 0.01). Dropout is identity in eval mode.
    src = edge_index[0]
    dst = edge_index[1]
    ones = jnp.ones((E,), dtype=h.dtype)
    out_deg = jax.ops.segment_sum(ones, src, num_segments=N)
    in_deg = jax.ops.segment_sum(ones, dst, num_segments=N)
    norm_src = jax.lax.rsqrt(jnp.clip(out_deg, 1.0, None))
    norm_dst = jax.lax.rsqrt(jnp.clip(in_deg, 1.0, None))
    hs = h * norm_src[:, None]
    msgs = jnp.take(hs, src, axis=0)
    agg = jax.ops.segment_sum(msgs, dst, num_segments=N)
    agg = agg * norm_dst[:, None]
    out = agg @ W + b
    return jax.nn.leaky_relu(out, negative_slope=0.01)

if __name__ == "__main__":
    import jax
    _d = setup_inputs()
    print(jax.jit(kernel)(*tuple(_d.values())))

</pallas_src>

<mosaic_0001>
#map = affine_map<(d0, d1) -> (0, 0, 0, 0)>
#map1 = affine_map<(d0, d1) -> (0, 0)>
#map2 = affine_map<(d0, d1) -> (0, 0, 0)>
module attributes {stable_mosaic.version = 14 : i64} {
  func.func @_deg_body(%arg0: i32, %arg1: i32, %arg2: memref<2x32x80x125xi32, #tpu.memory_space<hbm>>, %arg3: memref<125x16xf32, #tpu.memory_space<hbm>>, %arg4: memref<10240x16xf32, #tpu.memory_space<hbm>>, %arg5: memref<2x10240x16xf32, #tpu.memory_space<hbm>>, %arg6: memref<2x10240x16xf32, #tpu.memory_space<hbm>>, %arg7: memref<2x80x125xi32, #tpu.memory_space<vmem>>, %arg8: memref<125x16xf32, #tpu.memory_space<vmem>>, %arg9: memref<10240x16xf32, #tpu.memory_space<vmem_shared>>, %arg10: memref<10240x16xf32, #tpu.memory_space<vmem_shared>>, %arg11: memref<!tpu.dma_semaphore, #tpu.memory_space<semaphore_mem>>, %arg12: memref<!tpu.dma_semaphore, #tpu.memory_space<semaphore_mem>>) attributes {dimension_semantics = [#tpu.dimension_semantics<core_parallel>, #tpu.dimension_semantics<subcore_parallel>], iteration_bounds = array<i64: 2, 16>, scalar_prefetch = 0 : i64, scratch_operands = 6 : i64, tpu.core_type = #tpu.core_type<sc_vector_subcore>, window_params = [{transform_indices = #map}, {transform_indices = #map1}, {transform_indices = #map1}, {transform_indices = #map2}, {transform_indices = #map2}]} {
    %mul3A = arith.constant 16 : i32
    %mul3A_0 = arith.muli %arg0, %mul3A : i32
    %add3A = arith.addi %mul3A_0, %arg1 : i32
    %dma_start3A = arith.constant 0 : i32
    %dma_start3A_1 = arith.constant 0 : i32
    %dma_start3A_2 = arith.constant 0 : i32
    %dma_start3A_3 = arith.constant 0 : i32
    %dma_start3A_4 = tpu.memref_slice %arg7[%dma_start3A_1, %dma_start3A_2, %dma_start3A_3] : memref<2x80x125xi32, #tpu.memory_space<vmem>> -> memref<1x80x125xi32, #tpu.memory_space<vmem>>
    %dma_start3A_5 = tpu.memref_squeeze %dma_start3A_4 : memref<1x80x125xi32, #tpu.memory_space<vmem>> -> memref<80x125xi32, #tpu.memory_space<vmem>>
    %dma_start3A_6 = arith.constant 0 : i32
    %dma_start3A_7 = arith.constant 0 : i32
    %dma_start3A_8 = tpu.memref_slice %arg2[%dma_start3A, %add3A, %dma_start3A_6, %dma_start3A_7] : memref<2x32x80x125xi32, #tpu.memory_space<hbm>> -> memref<1x1x80x125xi32, #tpu.memory_space<hbm>>
    %dma_start3A_9 = tpu.memref_squeeze %dma_start3A_8 : memref<1x1x80x125xi32, #tpu.memory_space<hbm>> -> memref<80x125xi32, #tpu.memory_space<hbm>>
    %dma_start3A_10 = arith.constant 0 : i32
    %dma_start3A_11 = arith.constant 0 : i32
    %dma_start3A_12 = tpu.memref_slice %arg7[%dma_start3A_1, %dma_start3A_10, %dma_start3A_11] : memref<2x80x125xi32, #tpu.memory_space<vmem>> -> memref<1x80x125xi32, #tpu.memory_space<vmem>>
    %dma_start3A_13 = tpu.memref_squeeze %dma_start3A_12 : memref<1x80x125xi32, #tpu.memory_space<vmem>> -> memref<80x125xi32, #tpu.memory_space<vmem>>
    %dma_start3A_14 = arith.constant 0 : i32
    %dma_start3A_15 = arith.constant 0 : i32
    %dma_start3A_16 = tpu.memref_slice %arg2[%dma_start3A, %add3A, %dma_start3A_14, %dma_start3A_15] : memref<2x32x80x125xi32, #tpu.memory_space<hbm>> -> memref<1x1x80x125xi32, #tpu.memory_space<hbm>>
    %dma_start3A_17 = tpu.memref_squeeze %dma_start3A_16 : memref<1x1x80x125xi32, #tpu.memory_space<hbm>> -> memref<80x125xi32, #tpu.memory_space<hbm>>
    tpu.enqueue_dma source(%dma_start3A_17 : memref<80x125xi32, #tpu.memory_space<hbm>>) target(%dma_start3A_13 : memref<80x125xi32, #tpu.memory_space<vmem>>) target_semaphore(%arg11 : memref<!tpu.dma_semaphore, #tpu.memory_space<semaphore_mem>>)
    %dma_start3A_18 = arith.constant 1 : i32
    %dma_start3A_19 = arith.constant 1 : i32
    %dma_start3A_20 = arith.constant 0 : i32
    %dma_start3A_21 = arith.constant 0 : i32
    %dma_start3A_22 = tpu.memref_slice %arg7[%dma_start3A_19, %dma_start3A_20, %dma_start3A_21] : memref<2x80x125xi32, #tpu.memory_space<vmem>> -> memref<1x80x125xi32, #tpu.memory_space<vmem>>
    %dma_start3A_23 = tpu.memref_squeeze %dma_start3A_22 : memref<1x80x125xi32, #tpu.memory_space<vmem>> -> memref<80x125xi32, #tpu.memory_space<vmem>>
    %dma_start3A_24 = arith.constant 0 : i32
    %dma_start3A_25 = arith.constant 0 : i32
    %dma_start3A_26 = tpu.memref_slice %arg2[%dma_start3A_18, %add3A, %dma_start3A_24, %dma_start3A_25] : memref<2x32x80x125xi32, #tpu.memory_space<hbm>> -> memref<1x1x80x125xi32, #tpu.memory_space<hbm>>
    %dma_start3A_27 = tpu.memref_squeeze %dma_start3A_26 : memref<1x1x80x125xi32, #tpu.memory_space<hbm>> -> memref<80x125xi32, #tpu.memory_space<hbm>>
    %dma_start3A_28 = arith.constant 0 : i32
    %dma_start3A_29 = arith.constant 0 : i32
    %dma_start3A_30 = tpu.memref_slice %arg7[%dma_start3A_19, %dma_start3A_28, %dma_start3A_29] : memref<2x80x125xi32, #tpu.memory_space<vmem>> -> memref<1x80x125xi32, #tpu.memory_space<vmem>>
    %dma_start3A_31 = tpu.memref_squeeze %dma_start3A_30 : memref<1x80x125xi32, #tpu.memory_space<vmem>> -> memref<80x125xi32, #tpu.memory_space<vmem>>
    %dma_start3A_32 = arith.constant 0 : i32
    %dma_start3A_33 = arith.constant 0 : i32
    %dma_start3A_34 = tpu.memref_slice %arg2[%dma_start3A_18, %add3A, %dma_start3A_32, %dma_start3A_33] : memref<2x32x80x125xi32, #tpu.memory_space<hbm>> -> memref<1x1x80x125xi32, #tpu.memory_space<hbm>>
    %dma_start3A_35 = tpu.memref_squeeze %dma_start3A_34 : memref<1x1x80x125xi32, #tpu.memory_space<hbm>> -> memref<80x125xi32, #tpu.memory_space<hbm>>
    tpu.enqueue_dma source(%dma_start3A_35 : memref<80x125xi32, #tpu.memory_space<hbm>>) target(%dma_start3A_31 : memref<80x125xi32, #tpu.memory_space<vmem>>) target_semaphore(%arg11 : memref<!tpu.dma_semaphore, #tpu.memory_space<semaphore_mem>>)
    tpu.enqueue_dma source(%arg3 : memref<125x16xf32, #tpu.memory_space<hbm>>) target(%arg8 : memref<125x16xf32, #tpu.memory_space<vmem>>) target_semaphore(%arg11 : memref<!tpu.dma_semaphore, #tpu.memory_space<semaphore_mem>>)
    %mul3A_36 = arith.constant 640 : i32
    %mul3A_37 = arith.muli %arg1, %mul3A_36 : i32
    %mul3A_38 = arith.constant 640 : i32
    %mul3A_39 = arith.muli %arg1, %mul3A_38 : i32
    %dma_start3A_40 = arith.constant 0 : i32
    %dma_start3A_41 = tpu.memref_slice %arg9[%mul3A_39, %dma_start3A_40] : memref<10240x16xf32, #tpu.memory_space<vmem_shared>> -> memref<640x16xf32, #tpu.memory_space<vmem_shared>>
    %dma_start3A_42 = arith.constant 0 : i32
    %dma_start3A_43 = tpu.memref_slice %arg4[%mul3A_37, %dma_start3A_42] : memref<10240x16xf32, #tpu.memory_space<hbm>> -> memref<640x16xf32, #tpu.memory_space<hbm>>
    tpu.enqueue_dma source(%dma_start3A_43 : memref<640x16xf32, #tpu.memory_space<hbm>>) target(%dma_start3A_41 : memref<640x16xf32, #tpu.memory_space<vmem_shared>>) target_semaphore(%arg11 : memref<!tpu.dma_semaphore, #tpu.memory_space<semaphore_mem>>)
    %mul3A_44 = arith.constant 640 : i32
    %mul3A_45 = arith.muli %arg1, %mul3A_44 : i32
    %mul3A_46 = arith.constant 640 : i32
    %mul3A_47 = arith.muli %arg1, %mul3A_46 : i32
    %dma_start3A_48 = arith.constant 0 : i32
    %dma_start3A_49 = tpu.memref_slice %arg10[%mul3A_47, %dma_start3A_48] : memref<10240x16xf32, #tpu.memory_space<vmem_shared>> -> memref<640x16xf32, #tpu.memory_space<vmem_shared>>
    %dma_start3A_50 = arith.constant 0 : i32
    %dma_start3A_51 = tpu.memref_slice %arg4[%mul3A_45, %dma_start3A_50] : memref<10240x16xf32, #tpu.memory_space<hbm>> -> memref<640x16xf32, #tpu.memory_space<hbm>>
    tpu.enqueue_dma source(%dma_start3A_51 : memref<640x16xf32, #tpu.memory_space<hbm>>) target(%dma_start3A_49 : memref<640x16xf32, #tpu.memory_space<vmem_shared>>) target_semaphore(%arg11 : memref<!tpu.dma_semaphore, #tpu.memory_space<semaphore_mem>>)
    %dma_wait3A = arith.constant 0 : i32
    %dma_wait3A_52 = arith.constant 0 : i32
    %dma_wait3A_53 = arith.constant 0 : i32
    %dma_wait3A_54 = arith.constant 0 : i32
    %dma_wait3A_55 = tpu.memref_slice %arg7[%dma_wait3A_52, %dma_wait3A_53, %dma_wait3A_54] : memref<2x80x125xi32, #tpu.memory_space<vmem>> -> memref<1x80x125xi32, #tpu.memory_space<vmem>>
    %dma_wait3A_56 = tpu.memref_squeeze %dma_wait3A_55 : memref<1x80x125xi32, #tpu.memory_space<vmem>> -> memref<80x125xi32, #tpu.memory_space<vmem>>
    %dma_wait3A_57 = arith.constant 0 : i32
    %dma_wait3A_58 = arith.constant 0 : i32
    %dma_wait3A_59 = tpu.memref_slice %arg2[%dma_wait3A, %add3A, %dma_wait3A_57, %dma_wait3A_58] : memref<2x32x80x125xi32, #tpu.memory_space<hbm>> -> memref<1x1x80x125xi32, #tpu.memory_space<hbm>>
    %dma_wait3A_60 = tpu.memref_squeeze %dma_wait3A_59 : memref<1x1x80x125xi32, #tpu.memory_space<hbm>> -> memref<80x125xi32, #tpu.memory_space<hbm>>
    %dma_wait3A_61 = arith.constant 0 : i32
    %dma_wait3A_62 = arith.constant 0 : i32
    %dma_wait3A_63 = tpu.memref_slice %arg7[%dma_wait3A_52, %dma_wait3A_61, %dma_wait3A_62] : memref<2x80x125xi32, #tpu.memory_space<vmem>> -> memref<1x80x125xi32, #tpu.memory_space<vmem>>
    %dma_wait3A_64 = tpu.memref_squeeze %dma_wait3A_63 : memref<1x80x125xi32, #tpu.memory_space<vmem>> -> memref<80x125xi32, #tpu.memory_space<vmem>>
    %dma_wait3A_65 = arith.constant 0 : i32
    %dma_wait3A_66 = arith.constant 0 : i32
    %dma_wait3A_67 = tpu.memref_slice %arg2[%dma_wait3A, %add3A, %dma_wait3A_65, %dma_wait3A_66] : memref<2x32x80x125xi32, #tpu.memory_space<hbm>> -> memref<1x1x80x125xi32, #tpu.memory_space<hbm>>
    %dma_wait3A_68 = tpu.memref_squeeze %dma_wait3A_67 : memref<1x1x80x125xi32, #tpu.memory_space<hbm>> -> memref<80x125xi32, #tpu.memory_space<hbm>>
    tpu.wait_dma2 semaphore(%arg11 : memref<!tpu.dma_semaphore, #tpu.memory_space<semaphore_mem>>) src(%dma_wait3A_68 : memref<80x125xi32, #tpu.memory_space<hbm>>) dst(%dma_wait3A_64 : memref<80x125xi32, #tpu.memory_space<vmem>>)
    %dma_wait3A_69 = arith.constant 1 : i32
    %dma_wait3A_70 = arith.constant 1 : i32
    %dma_wait3A_71 = arith.constant 0 : i32
    %dma_wait3A_72 = arith.constant 0 : i32
    %dma_wait3A_73 = tpu.memref_slice %arg7[%dma_wait3A_70, %dma_wait3A_71, %dma_wait3A_72] : memref<2x80x125xi32, #tpu.memory_space<vmem>> -> memref<1x80x125xi32, #tpu.memory_space<vmem>>
    %dma_wait3A_74 = tpu.memref_squeeze %dma_wait3A_73 : memref<1x80x125xi32, #tpu.memory_space<vmem>> -> memref<80x125xi32, #tpu.memory_space<vmem>>
    %dma_wait3A_75 = arith.constant 0 : i32
    %dma_wait3A_76 = arith.constant 0 : i32
    %dma_wait3A_77 = tpu.memref_slice %arg2[%dma_wait3A_69, %add3A, %dma_wait3A_75, %dma_wait3A_76] : memref<2x32x80x125xi32, #tpu.memory_space<hbm>> -> memref<1x1x80x125xi32, #tpu.memory_space<hbm>>
    %dma_wait3A_78 = tpu.memref_squeeze %dma_wait3A_77 : memref<1x1x80x125xi32, #tpu.memory_space<hbm>> -> memref<80x125xi32, #tpu.memory_space<hbm>>
    %dma_wait3A_79 = arith.constant 0 : i32
    %dma_wait3A_80 = arith.constant 0 : i32
    %dma_wait3A_81 = tpu.memref_slice %arg7[%dma_wait3A_70, %dma_wait3A_79, %dma_wait3A_80] : memref<2x80x125xi32, #tpu.memory_space<vmem>> -> memref<1x80x125xi32, #tpu.memory_space<vmem>>
    %dma_wait3A_82 = tpu.memref_squeeze %dma_wait3A_81 : memref<1x80x125xi32, #tpu.memory_space<vmem>> -> memref<80x125xi32, #tpu.memory_space<vmem>>
    %dma_wait3A_83 = arith.constant 0 : i32
    %dma_wait3A_84 = arith.constant 0 : i32
    %dma_wait3A_85 = tpu.memref_slice %arg2[%dma_wait3A_69, %add3A, %dma_wait3A_83, %dma_wait3A_84] : memref<2x32x80x125xi32, #tpu.memory_space<hbm>> -> memref<1x1x80x125xi32, #tpu.memory_space<hbm>>
    %dma_wait3A_86 = tpu.memref_squeeze %dma_wait3A_85 : memref<1x1x80x125xi32, #tpu.memory_space<hbm>> -> memref<80x125xi32, #tpu.memory_space<hbm>>
    tpu.wait_dma2 semaphore(%arg11 : memref<!tpu.dma_semaphore, #tpu.memory_space<semaphore_mem>>) src(%dma_wait3A_86 : memref<80x125xi32, #tpu.memory_space<hbm>>) dst(%dma_wait3A_82 : memref<80x125xi32, #tpu.memory_space<vmem>>)
    tpu.wait_dma2 semaphore(%arg11 : memref<!tpu.dma_semaphore, #tpu.memory_space<semaphore_mem>>) src(%arg3 : memref<125x16xf32, #tpu.memory_space<hbm>>) dst(%arg8 : memref<125x16xf32, #tpu.memory_space<vmem>>)
    %dma_wait3A_87 = arith.constant 0 : i32
    %dma_wait3A_88 = tpu.memref_slice %arg9[%mul3A_39, %dma_wait3A_87] : memref<10240x16xf32, #tpu.memory_space<vmem_shared>> -> memref<640x16xf32, #tpu.memory_space<vmem_shared>>
    %dma_wait3A_89 = arith.constant 0 : i32
    %dma_wait3A_90 = tpu.memref_slice %arg4[%mul3A_37, %dma_wait3A_89] : memref<10240x16xf32, #tpu.memory_space<hbm>> -> memref<640x16xf32, #tpu.memory_space<hbm>>
    tpu.wait_dma2 semaphore(%arg11 : memref<!tpu.dma_semaphore, #tpu.memory_space<semaphore_mem>>) src(%dma_wait3A_90 : memref<640x16xf32, #tpu.memory_space<hbm>>) dst(%dma_wait3A_88 : memref<640x16xf32, #tpu.memory_space<vmem_shared>>)
    %dma_wait3A_91 = arith.constant 0 : i32
    %dma_wait3A_92 = tpu.memref_slice %arg10[%mul3A_47, %dma_wait3A_91] : memref<10240x16xf32, #tpu.memory_space<vmem_shared>> -> memref<640x16xf32, #tpu.memory_space<vmem_shared>>
    %dma_wait3A_93 = arith.constant 0 : i32
    %dma_wait3A_94 = tpu.memref_slice %arg4[%mul3A_45, %dma_wait3A_93] : memref<10240x16xf32, #tpu.memory_space<hbm>> -> memref<640x16xf32, #tpu.memory_space<hbm>>
    tpu.wait_dma2 semaphore(%arg11 : memref<!tpu.dma_semaphore, #tpu.memory_space<semaphore_mem>>) src(%dma_wait3A_94 : memref<640x16xf32, #tpu.memory_space<hbm>>) dst(%dma_wait3A_92 : memref<640x16xf32, #tpu.memory_space<vmem_shared>>)
    %barrier3A = arith.constant 0 : index
    tpu.barrier barrier_id(%barrier3A)
    %scan3A = arith.constant 0 : i32
    %scan3A_95 = arith.constant 20 : i32
    %scan3A_96 = arith.addi %scan3A, %scan3A_95 : i32
    %scan3A_97 = arith.constant 1 : i32
    scf.for %scan3A_108 = %scan3A to %scan3A_96 step %scan3A_97  : i32 {
      %mul3A_109 = arith.constant 4 : i32
      %mul3A_110 = arith.muli %scan3A_108, %mul3A_109 : i32
      %add3A_111 = arith.constant 0 : i32
      %add3A_112 = arith.addi %add3A_111, %mul3A_110 : i32
      %add3A_113 = arith.constant 0 : i32
      %add3A_114 = arith.addi %add3A_112, %add3A_113 : i32
      %dma_start3A_115 = arith.constant 0 : i32
      %dma_start3A_116 = arith.constant 0 : i32
      %dma_start3A_117 = tpu.memref_slice %arg7[%dma_start3A_115, %add3A_114, %dma_start3A_116] : memref<2x80x125xi32, #tpu.memory_space<vmem>> -> memref<1x1x125xi32, #tpu.memory_space<vmem>>
      %dma_start3A_118 = tpu.memref_squeeze %dma_start3A_117 : memref<1x1x125xi32, #tpu.memory_space<vmem>> -> memref<125xi32, #tpu.memory_space<vmem>>
      %dma_start3A_119 = arith.constant 0 : i32
      %dma_start3A_120 = arith.constant 0 : i32
      %dma_start3A_121 = tpu.memref_slice %arg9[%dma_start3A_119, %dma_start3A_120] : memref<10240x16xf32, #tpu.memory_space<vmem_shared>> -> memref<10240x16xf32, #tpu.memory_space<vmem_shared>>
      tpu.enqueue_indirect_dma source(%arg8 : memref<125x16xf32, #tpu.memory_space<vmem>>) target(%dma_start3A_121 : memref<10240x16xf32, #tpu.memory_space<vmem_shared>>) offsets(%dma_start3A_118 : memref<125xi32, #tpu.memory_space<vmem>>) semaphore(%arg12 : memref<!tpu.dma_semaphore, #tpu.memory_space<semaphore_mem>>) {add = true}
      %add3A_122 = arith.constant 0 : i32
      %add3A_123 = arith.addi %add3A_112, %add3A_122 : i32
      %dma_start3A_124 = arith.constant 1 : i32
      %dma_start3A_125 = arith.constant 0 : i32
      %dma_start3A_126 = tpu.memref_slice %arg7[%dma_start3A_124, %add3A_123, %dma_start3A_125] : memref<2x80x125xi32, #tpu.memory_space<vmem>> -> memref<1x1x125xi32, #tpu.memory_space<vmem>>
      %dma_start3A_127 = tpu.memref_squeeze %dma_start3A_126 : memref<1x1x125xi32, #tpu.memory_space<vmem>> -> memref<125xi32, #tpu.memory_space<vmem>>
      %dma_start3A_128 = arith.constant 0 : i32
      %dma_start3A_129 = arith.constant 0 : i32
      %dma_start3A_130 = tpu.memref_slice %arg10[%dma_start3A_128, %dma_start3A_129] : memref<10240x16xf32, #tpu.memory_space<vmem_shared>> -> memref<10240x16xf32, #tpu.memory_space<vmem_shared>>
      tpu.enqueue_indirect_dma source(%arg8 : memref<125x16xf32, #tpu.memory_space<vmem>>) target(%dma_start3A_130 : memref<10240x16xf32, #tpu.memory_space<vmem_shared>>) offsets(%dma_start3A_127 : memref<125xi32, #tpu.memory_space<vmem>>) semaphore(%arg12 : memref<!tpu.dma_semaphore, #tpu.memory_space<semaphore_mem>>) {add = true}
      %add3A_131 = arith.constant 1 : i32
      %add3A_132 = arith.addi %add3A_112, %add3A_131 : i32
      %dma_start3A_133 = arith.constant 0 : i32
      %dma_start3A_134 = arith.constant 0 : i32
      %dma_start3A_135 = tpu.memref_slice %arg7[%dma_start3A_133, %add3A_132, %dma_start3A_134] : memref<2x80x125xi32, #tpu.memory_space<vmem>> -> memref<1x1x125xi32, #tpu.memory_space<vmem>>
      %dma_start3A_136 = tpu.memref_squeeze %dma_start3A_135 : memref<1x1x125xi32, #tpu.memory_space<vmem>> -> memref<125xi32, #tpu.memory_space<vmem>>
      %dma_start3A_137 = arith.constant 0 : i32
      %dma_start3A_138 = arith.constant 0 : i32
      %dma_start3A_139 = tpu.memref_slice %arg9[%dma_start3A_137, %dma_start3A_138] : memref<10240x16xf32, #tpu.memory_space<vmem_shared>> -> memref<10240x16xf32, #tpu.memory_space<vmem_shared>>
      tpu.enqueue_indirect_dma source(%arg8 : memref<125x16xf32, #tpu.memory_space<vmem>>) target(%dma_start3A_139 : memref<10240x16xf32, #tpu.memory_space<vmem_shared>>) offsets(%dma_start3A_136 : memref<125xi32, #tpu.memory_space<vmem>>) semaphore(%arg12 : memref<!tpu.dma_semaphore, #tpu.memory_space<semaphore_mem>>) {add = true}
      %add3A_140 = arith.constant 1 : i32
      %add3A_141 = arith.addi %add3A_112, %add3A_140 : i32
      %dma_start3A_142 = arith.constant 1 : i32
      %dma_start3A_143 = arith.constant 0 : i32
      %dma_start3A_144 = tpu.memref_slice %arg7[%dma_start3A_142, %add3A_141, %dma_start3A_143] : memref<2x80x125xi32, #tpu.memory_space<vmem>> -> memref<1x1x125xi32, #tpu.memory_space<vmem>>
      %dma_start3A_145 = tpu.memref_squeeze %dma_start3A_144 : memref<1x1x125xi32, #tpu.memory_space<vmem>> -> memref<125xi32, #tpu.memory_space<vmem>>
      %dma_start3A_146 = arith.constant 0 : i32
      %dma_start3A_147 = arith.constant 0 : i32
      %dma_start3A_148 = tpu.memref_slice %arg10[%dma_start3A_146, %dma_start3A_147] : memref<10240x16xf32, #tpu.memory_space<vmem_shared>> -> memref<10240x16xf32, #tpu.memory_space<vmem_shared>>
      tpu.enqueue_indirect_dma source(%arg8 : memref<125x16xf32, #tpu.memory_space<vmem>>) target(%dma_start3A_148 : memref<10240x16xf32, #tpu.memory_space<vmem_shared>>) offsets(%dma_start3A_145 : memref<125xi32, #tpu.memory_space<vmem>>) semaphore(%arg12 : memref<!tpu.dma_semaphore, #tpu.memory_space<semaphore_mem>>) {add = true}
      %add3A_149 = arith.constant 2 : i32
      %add3A_150 = arith.addi %add3A_112, %add3A_149 : i32
      %dma_start3A_151 = arith.constant 0 : i32
      %dma_start3A_152 = arith.constant 0 : i32
      %dma_start3A_153 = tpu.memref_slice %arg7[%dma_start3A_151, %add3A_150, %dma_start3A_152] : memref<2x80x125xi32, #tpu.memory_space<vmem>> -> memref<1x1x125xi32, #tpu.memory_space<vmem>>
      %dma_start3A_154 = tpu.memref_squeeze %dma_start3A_153 : memref<1x1x125xi32, #tpu.memory_space<vmem>> -> memref<125xi32, #tpu.memory_space<vmem>>
      %dma_start3A_155 = arith.constant 0 : i32
      %dma_start3A_156 = arith.constant 0 : i32
      %dma_start3A_157 = tpu.memref_slice %arg9[%dma_start3A_155, %dma_start3A_156] : memref<10240x16xf32, #tpu.memory_space<vmem_shared>> -> memref<10240x16xf32, #tpu.memory_space<vmem_shared>>
      tpu.enqueue_indirect_dma source(%arg8 : memref<125x16xf32, #tpu.memory_space<vmem>>) target(%dma_start3A_157 : memref<10240x16xf32, #tpu.memory_space<vmem_shared>>) offsets(%dma_start3A_154 : memref<125xi32, #tpu.memory_space<vmem>>) semaphore(%arg12 : memref<!tpu.dma_semaphore, #tpu.memory_space<semaphore_mem>>) {add = true}
      %add3A_158 = arith.constant 2 : i32
      %add3A_159 = arith.addi %add3A_112, %add3A_158 : i32
      %dma_start3A_160 = arith.constant 1 : i32
      %dma_start3A_161 = arith.constant 0 : i32
      %dma_start3A_162 = tpu.memref_slice %arg7[%dma_start3A_160, %add3A_159, %dma_start3A_161] : memref<2x80x125xi32, #tpu.memory_space<vmem>> -> memref<1x1x125xi32, #tpu.memory_space<vmem>>
      %dma_start3A_163 = tpu.memref_squeeze %dma_start3A_162 : memref<1x1x125xi32, #tpu.memory_space<vmem>> -> memref<125xi32, #tpu.memory_space<vmem>>
      %dma_start3A_164 = arith.constant 0 : i32
      %dma_start3A_165 = arith.constant 0 : i32
      %dma_start3A_166 = tpu.memref_slice %arg10[%dma_start3A_164, %dma_start3A_165] : memref<10240x16xf32, #tpu.memory_space<vmem_shared>> -> memref<10240x16xf32, #tpu.memory_space<vmem_shared>>
      tpu.enqueue_indirect_dma source(%arg8 : memref<125x16xf32, #tpu.memory_space<vmem>>) target(%dma_start3A_166 : memref<10240x16xf32, #tpu.memory_space<vmem_shared>>) offsets(%dma_start3A_163 : memref<125xi32, #tpu.memory_space<vmem>>) semaphore(%arg12 : memref<!tpu.dma_semaphore, #tpu.memory_space<semaphore_mem>>) {add = true}
      %add3A_167 = arith.constant 3 : i32
      %add3A_168 = arith.addi %add3A_112, %add3A_167 : i32
      %dma_start3A_169 = arith.constant 0 : i32
      %dma_start3A_170 = arith.constant 0 : i32
      %dma_start3A_171 = tpu.memref_slice %arg7[%dma_start3A_169, %add3A_168, %dma_start3A_170] : memref<2x80x125xi32, #tpu.memory_space<vmem>> -> memref<1x1x125xi32, #tpu.memory_space<vmem>>
      %dma_start3A_172 = tpu.memref_squeeze %dma_start3A_171 : memref<1x1x125xi32, #tpu.memory_space<vmem>> -> memref<125xi32, #tpu.memory_space<vmem>>
      %dma_start3A_173 = arith.constant 0 : i32
      %dma_start3A_174 = arith.constant 0 : i32
      %dma_start3A_175 = tpu.memref_slice %arg9[%dma_start3A_173, %dma_start3A_174] : memref<10240x16xf32, #tpu.memory_space<vmem_shared>> -> memref<10240x16xf32, #tpu.memory_space<vmem_shared>>
      tpu.enqueue_indirect_dma source(%arg8 : memref<125x16xf32, #tpu.memory_space<vmem>>) target(%dma_start3A_175 : memref<10240x16xf32, #tpu.memory_space<vmem_shared>>) offsets(%dma_start3A_172 : memref<125xi32, #tpu.memory_space<vmem>>) semaphore(%arg12 : memref<!tpu.dma_semaphore, #tpu.memory_space<semaphore_mem>>) {add = true}
      %add3A_176 = arith.constant 3 : i32
      %add3A_177 = arith.addi %add3A_112, %add3A_176 : i32
      %dma_start3A_178 = arith.constant 1 : i32
      %dma_start3A_179 = arith.constant 0 : i32
      %dma_start3A_180 = tpu.memref_slice %arg7[%dma_start3A_178, %add3A_177, %dma_start3A_179] : memref<2x80x125xi32, #tpu.memory_space<vmem>> -> memref<1x1x125xi32, #tpu.memory_space<vmem>>
      %dma_start3A_181 = tpu.memref_squeeze %dma_start3A_180 : memref<1x1x125xi32, #tpu.memory_space<vmem>> -> memref<125xi32, #tpu.memory_space<vmem>>
      %dma_start3A_182 = arith.constant 0 : i32
      %dma_start3A_183 = arith.constant 0 : i32
      %dma_start3A_184 = tpu.memref_slice %arg10[%dma_start3A_182, %dma_start3A_183] : memref<10240x16xf32, #tpu.memory_space<vmem_shared>> -> memref<10240x16xf32, #tpu.memory_space<vmem_shared>>
      tpu.enqueue_indirect_dma source(%arg8 : memref<125x16xf32, #tpu.memory_space<vmem>>) target(%dma_start3A_184 : memref<10240x16xf32, #tpu.memory_space<vmem_shared>>) offsets(%dma_start3A_181 : memref<125xi32, #tpu.memory_space<vmem>>) semaphore(%arg12 : memref<!tpu.dma_semaphore, #tpu.memory_space<semaphore_mem>>) {add = true}
      %dma_wait3A_185 = arith.constant 0 : i32
      %dma_wait3A_186 = arith.constant 0 : i32
      %dma_wait3A_187 = tpu.memref_slice %arg7[%dma_wait3A_185, %add3A_114, %dma_wait3A_186] : memref<2x80x125xi32, #tpu.memory_space<vmem>> -> memref<1x1x125xi32, #tpu.memory_space<vmem>>
      %dma_wait3A_188 = tpu.memref_squeeze %dma_wait3A_187 : memref<1x1x125xi32, #tpu.memory_space<vmem>> -> memref<125xi32, #tpu.memory_space<vmem>>
      %dma_wait3A_189 = arith.constant 0 : i32
      %dma_wait3A_190 = arith.constant 0 : i32
      %dma_wait3A_191 = tpu.memref_slice %arg9[%dma_wait3A_189, %dma_wait3A_190] : memref<10240x16xf32, #tpu.memory_space<vmem_shared>> -> memref<10240x16xf32, #tpu.memory_space<vmem_shared>>
      tpu.wait_indirect_dma semaphore(%arg12 : memref<!tpu.dma_semaphore, #tpu.memory_space<semaphore_mem>>) src(%arg8 : memref<125x16xf32, #tpu.memory_space<vmem>>) dst(%dma_wait3A_191 : memref<10240x16xf32, #tpu.memory_space<vmem_shared>>)
      %dma_wait3A_192 = arith.constant 1 : i32
      %dma_wait3A_193 = arith.constant 0 : i32
      %dma_wait3A_194 = tpu.memref_slice %arg7[%dma_wait3A_192, %add3A_123, %dma_wait3A_193] : memref<2x80x125xi32, #tpu.memory_space<vmem>> -> memref<1x1x125xi32, #tpu.memory_space<vmem>>
      %dma_wait3A_195 = tpu.memref_squeeze %dma_wait3A_194 : memref<1x1x125xi32, #tpu.memory_space<vmem>> -> memref<125xi32, #tpu.memory_space<vmem>>
      %dma_wait3A_196 = arith.constant 0 : i32
      %dma_wait3A_197 = arith.constant 0 : i32
      %dma_wait3A_198 = tpu.memref_slice %arg10[%dma_wait3A_196, %dma_wait3A_197] : memref<10240x16xf32, #tpu.memory_space<vmem_shared>> -> memref<10240x16xf32, #tpu.memory_space<vmem_shared>>
      tpu.wait_indirect_dma semaphore(%arg12 : memref<!tpu.dma_semaphore, #tpu.memory_space<semaphore_mem>>) src(%arg8 : memref<125x16xf32, #tpu.memory_space<vmem>>) dst(%dma_wait3A_198 : memref<10240x16xf32, #tpu.memory_space<vmem_shared>>)
      %dma_wait3A_199 = arith.constant 0 : i32
      %dma_wait3A_200 = arith.constant 0 : i32
      %dma_wait3A_201 = tpu.memref_slice %arg7[%dma_wait3A_199, %add3A_132, %dma_wait3A_200] : memref<2x80x125xi32, #tpu.memory_space<vmem>> -> memref<1x1x125xi32, #tpu.memory_space<vmem>>
      %dma_wait3A_202 = tpu.memref_squeeze %dma_wait3A_201 : memref<1x1x125xi32, #tpu.memory_space<vmem>> -> memref<125xi32, #tpu.memory_space<vmem>>
      %dma_wait3A_203 = arith.constant 0 : i32
      %dma_wait3A_204 = arith.constant 0 : i32
      %dma_wait3A_205 = tpu.memref_slice %arg9[%dma_wait3A_203, %dma_wait3A_204] : memref<10240x16xf32, #tpu.memory_space<vmem_shared>> -> memref<10240x16xf32, #tpu.memory_space<vmem_shared>>
      tpu.wait_indirect_dma semaphore(%arg12 : memref<!tpu.dma_semaphore, #tpu.memory_space<semaphore_mem>>) src(%arg8 : memref<125x16xf32, #tpu.memory_space<vmem>>) dst(%dma_wait3A_205 : memref<10240x16xf32, #tpu.memory_space<vmem_shared>>)
      %dma_wait3A_206 = arith.constant 1 : i32
      %dma_wait3A_207 = arith.constant 0 : i32
      %dma_wait3A_208 = tpu.memref_slice %arg7[%dma_wait3A_206, %add3A_141, %dma_wait3A_207] : memref<2x80x125xi32, #tpu.memory_space<vmem>> -> memref<1x1x125xi32, #tpu.memory_space<vmem>>
      %dma_wait3A_209 = tpu.memref_squeeze %dma_wait3A_208 : memref<1x1x125xi32, #tpu.memory_space<vmem>> -> memref<125xi32, #tpu.memory_space<vmem>>
      %dma_wait3A_210 = arith.constant 0 : i32
      %dma_wait3A_211 = arith.constant 0 : i32
      %dma_wait3A_212 = tpu.memref_slice %arg10[%dma_wait3A_210, %dma_wait3A_211] : memref<10240x16xf32, #tpu.memory_space<vmem_shared>> -> memref<10240x16xf32, #tpu.memory_space<vmem_shared>>
      tpu.wait_indirect_dma semaphore(%arg12 : memref<!tpu.dma_semaphore, #tpu.memory_space<semaphore_mem>>) src(%arg8 : memref<125x16xf32, #tpu.memory_space<vmem>>) dst(%dma_wait3A_212 : memref<10240x16xf32, #tpu.memory_space<vmem_shared>>)
      %dma_wait3A_213 = arith.constant 0 : i32
      %dma_wait3A_214 = arith.constant 0 : i32
      %dma_wait3A_215 = tpu.memref_slice %arg7[%dma_wait3A_213, %add3A_150, %dma_wait3A_214] : memref<2x80x125xi32, #tpu.memory_space<vmem>> -> memref<1x1x125xi32, #tpu.memory_space<vmem>>
      %dma_wait3A_216 = tpu.memref_squeeze %dma_wait3A_215 : memref<1x1x125xi32, #tpu.memory_space<vmem>> -> memref<125xi32, #tpu.memory_space<vmem>>
      %dma_wait3A_217 = arith.constant 0 : i32
      %dma_wait3A_218 = arith.constant 0 : i32
      %dma_wait3A_219 = tpu.memref_slice %arg9[%dma_wait3A_217, %dma_wait3A_218] : memref<10240x16xf32, #tpu.memory_space<vmem_shared>> -> memref<10240x16xf32, #tpu.memory_space<vmem_shared>>
      tpu.wait_indirect_dma semaphore(%arg12 : memref<!tpu.dma_semaphore, #tpu.memory_space<semaphore_mem>>) src(%arg8 : memref<125x16xf32, #tpu.memory_space<vmem>>) dst(%dma_wait3A_219 : memref<10240x16xf32, #tpu.memory_space<vmem_shared>>)
      %dma_wait3A_220 = arith.constant 1 : i32
      %dma_wait3A_221 = arith.constant 0 : i32
      %dma_wait3A_222 = tpu.memref_slice %arg7[%dma_wait3A_220, %add3A_159, %dma_wait3A_221] : memref<2x80x125xi32, #tpu.memory_space<vmem>> -> memref<1x1x125xi32, #tpu.memory_space<vmem>>
      %dma_wait3A_223 = tpu.memref_squeeze %dma_wait3A_222 : memref<1x1x125xi32, #tpu.memory_space<vmem>> -> memref<125xi32, #tpu.memory_space<vmem>>
      %dma_wait3A_224 = arith.constant 0 : i32
      %dma_wait3A_225 = arith.constant 0 : i32
      %dma_wait3A_226 = tpu.memref_slice %arg10[%dma_wait3A_224, %dma_wait3A_225] : memref<10240x16xf32, #tpu.memory_space<vmem_shared>> -> memref<10240x16xf32, #tpu.memory_space<vmem_shared>>
      tpu.wait_indirect_dma semaphore(%arg12 : memref<!tpu.dma_semaphore, #tpu.memory_space<semaphore_mem>>) src(%arg8 : memref<125x16xf32, #tpu.memory_space<vmem>>) dst(%dma_wait3A_226 : memref<10240x16xf32, #tpu.memory_space<vmem_shared>>)
      %dma_wait3A_227 = arith.constant 0 : i32
      %dma_wait3A_228 = arith.constant 0 : i32
      %dma_wait3A_229 = tpu.memref_slice %arg7[%dma_wait3A_227, %add3A_168, %dma_wait3A_228] : memref<2x80x125xi32, #tpu.memory_space<vmem>> -> memref<1x1x125xi32, #tpu.memory_space<vmem>>
      %dma_wait3A_230 = tpu.memref_squeeze %dma_wait3A_229 : memref<1x1x125xi32, #tpu.memory_space<vmem>> -> memref<125xi32, #tpu.memory_space<vmem>>
      %dma_wait3A_231 = arith.constant 0 : i32
      %dma_wait3A_232 = arith.constant 0 : i32
      %dma_wait3A_233 = tpu.memref_slice %arg9[%dma_wait3A_231, %dma_wait3A_232] : memref<10240x16xf32, #tpu.memory_space<vmem_shared>> -> memref<10240x16xf32, #tpu.memory_space<vmem_shared>>
      tpu.wait_indirect_dma semaphore(%arg12 : memref<!tpu.dma_semaphore, #tpu.memory_space<semaphore_mem>>) src(%arg8 : memref<125x16xf32, #tpu.memory_space<vmem>>) dst(%dma_wait3A_233 : memref<10240x16xf32, #tpu.memory_space<vmem_shared>>)
      %dma_wait3A_234 = arith.constant 1 : i32
      %dma_wait3A_235 = arith.constant 0 : i32
      %dma_wait3A_236 = tpu.memref_slice %arg7[%dma_wait3A_234, %add3A_177, %dma_wait3A_235] : memref<2x80x125xi32, #tpu.memory_space<vmem>> -> memref<1x1x125xi32, #tpu.memory_space<vmem>>
      %dma_wait3A_237 = tpu.memref_squeeze %dma_wait3A_236 : memref<1x1x125xi32, #tpu.memory_space<vmem>> -> memref<125xi32, #tpu.memory_space<vmem>>
      %dma_wait3A_238 = arith.constant 0 : i32
      %dma_wait3A_239 = arith.constant 0 : i32
      %dma_wait3A_240 = tpu.memref_slice %arg10[%dma_wait3A_238, %dma_wait3A_239] : memref<10240x16xf32, #tpu.memory_space<vmem_shared>> -> memref<10240x16xf32, #tpu.memory_space<vmem_shared>>
      tpu.wait_indirect_dma semaphore(%arg12 : memref<!tpu.dma_semaphore, #tpu.memory_space<semaphore_mem>>) src(%arg8 : memref<125x16xf32, #tpu.memory_space<vmem>>) dst(%dma_wait3A_240 : memref<10240x16xf32, #tpu.memory_space<vmem_shared>>)
    }
    %scan3A_98 = arith.constant 20 : i32
    %barrier3A_99 = arith.constant 0 : index
    tpu.barrier barrier_id(%barrier3A_99)
    %mul3A_100 = arith.constant 640 : i32
    %mul3A_101 = arith.muli %arg1, %mul3A_100 : i32
    %mul3A_102 = arith.constant 640 : i32
    %mul3A_103 = arith.muli %arg1, %mul3A_102 : i32
    "tpu.region"() ({
      %run_scoped3A = tpu.sem_alloc : memref<!tpu.dma_semaphore, #tpu.memory_space<semaphore_mem>>
      %dma_start3A_108 = arith.constant 0 : i32
      %dma_start3A_109 = tpu.memref_slice %arg5[%arg0, %mul3A_103, %dma_start3A_108] : memref<2x10240x16xf32, #tpu.memory_space<hbm>> -> memref<1x640x16xf32, #tpu.memory_space<hbm>>
      %dma_start3A_110 = tpu.memref_squeeze %dma_start3A_109 : memref<1x640x16xf32, #tpu.memory_space<hbm>> -> memref<640x16xf32, #tpu.memory_space<hbm>>
      %dma_start3A_111 = arith.constant 0 : i32
      %dma_start3A_112 = tpu.memref_slice %arg9[%mul3A_101, %dma_start3A_111] : memref<10240x16xf32, #tpu.memory_space<vmem_shared>> -> memref<640x16xf32, #tpu.memory_space<vmem_shared>>
      tpu.enqueue_dma source(%dma_start3A_112 : memref<640x16xf32, #tpu.memory_space<vmem_shared>>) target(%dma_start3A_110 : memref<640x16xf32, #tpu.memory_space<hbm>>) target_semaphore(%run_scoped3A : memref<!tpu.dma_semaphore, #tpu.memory_space<semaphore_mem>>)
      %dma_wait3A_113 = arith.constant 0 : i32
      %dma_wait3A_114 = tpu.memref_slice %arg5[%arg0, %mul3A_103, %dma_wait3A_113] : memref<2x10240x16xf32, #tpu.memory_space<hbm>> -> memref<1x640x16xf32, #tpu.memory_space<hbm>>
      %dma_wait3A_115 = tpu.memref_squeeze %dma_wait3A_114 : memref<1x640x16xf32, #tpu.memory_space<hbm>> -> memref<640x16xf32, #tpu.memory_space<hbm>>
      %dma_wait3A_116 = arith.constant 0 : i32
      %dma_wait3A_117 = tpu.memref_slice %arg9[%mul3A_101, %dma_wait3A_116] : memref<10240x16xf32, #tpu.memory_space<vmem_shared>> -> memref<640x16xf32, #tpu.memory_space<vmem_shared>>
      tpu.wait_dma2 semaphore(%run_scoped3A : memref<!tpu.dma_semaphore, #tpu.memory_space<semaphore_mem>>) src(%dma_wait3A_117 : memref<640x16xf32, #tpu.memory_space<vmem_shared>>) dst(%dma_wait3A_115 : memref<640x16xf32, #tpu.memory_space<hbm>>)
      tpu.yield
    }) : () -> ()
    %mul3A_104 = arith.constant 640 : i32
    %mul3A_105 = arith.muli %arg1, %mul3A_104 : i32
    %mul3A_106 = arith.constant 640 : i32
    %mul3A_107 = arith.muli %arg1, %mul3A_106 : i32
    "tpu.region"() ({
      %run_scoped3A = tpu.sem_alloc : memref<!tpu.dma_semaphore, #tpu.memory_space<semaphore_mem>>
      %dma_start3A_108 = arith.constant 0 : i32
      %dma_start3A_109 = tpu.memref_slice %arg6[%arg0, %mul3A_107, %dma_start3A_108] : memref<2x10240x16xf32, #tpu.memory_space<hbm>> -> memref<1x640x16xf32, #tpu.memory_space<hbm>>
      %dma_start3A_110 = tpu.memref_squeeze %dma_start3A_109 : memref<1x640x16xf32, #tpu.memory_space<hbm>> -> memref<640x16xf32, #tpu.memory_space<hbm>>
      %dma_start3A_111 = arith.constant 0 : i32
      %dma_start3A_112 = tpu.memref_slice %arg10[%mul3A_105, %dma_start3A_111] : memref<10240x16xf32, #tpu.memory_space<vmem_shared>> -> memref<640x16xf32, #tpu.memory_space<vmem_shared>>
      tpu.enqueue_dma source(%dma_start3A_112 : memref<640x16xf32, #tpu.memory_space<vmem_shared>>) target(%dma_start3A_110 : memref<640x16xf32, #tpu.memory_space<hbm>>) target_semaphore(%run_scoped3A : memref<!tpu.dma_semaphore, #tpu.memory_space<semaphore_mem>>)
      %dma_wait3A_113 = arith.constant 0 : i32
      %dma_wait3A_114 = tpu.memref_slice %arg6[%arg0, %mul3A_107, %dma_wait3A_113] : memref<2x10240x16xf32, #tpu.memory_space<hbm>> -> memref<1x640x16xf32, #tpu.memory_space<hbm>>
      %dma_wait3A_115 = tpu.memref_squeeze %dma_wait3A_114 : memref<1x640x16xf32, #tpu.memory_space<hbm>> -> memref<640x16xf32, #tpu.memory_space<hbm>>
      %dma_wait3A_116 = arith.constant 0 : i32
      %dma_wait3A_117 = tpu.memref_slice %arg10[%mul3A_105, %dma_wait3A_116] : memref<10240x16xf32, #tpu.memory_space<vmem_shared>> -> memref<640x16xf32, #tpu.memory_space<vmem_shared>>
      tpu.wait_dma2 semaphore(%run_scoped3A : memref<!tpu.dma_semaphore, #tpu.memory_space<semaphore_mem>>) src(%dma_wait3A_117 : memref<640x16xf32, #tpu.memory_space<vmem_shared>>) dst(%dma_wait3A_115 : memref<640x16xf32, #tpu.memory_space<hbm>>)
      tpu.yield
    }) : () -> ()
    return
  }
}

#map = affine_map<(d0, d1) -> (0, 0)>
#map1 = affine_map<(d0, d1) -> (0, 0, 0, 0)>
#map2 = affine_map<(d0, d1) -> (0, 0, 0)>
module attributes {stable_mosaic.version = 14 : i64} {
  func.func @_agg_body(%arg0: i32, %arg1: i32, %arg2: memref<10000x128xf32, #tpu.memory_space<hbm>>, %arg3: memref<2x32x80x125xi32, #tpu.memory_space<hbm>>, %arg4: memref<10240x128xf32, #tpu.memory_space<hbm>>, %arg5: memref<2x10240x128xf32, #tpu.memory_space<hbm>>, %arg6: memref<125xi32, #tpu.memory_space<vmem>>, %arg7: memref<125xi32, #tpu.memory_space<vmem>>, %arg8: memref<125xi32, #tpu.memory_space<vmem>>, %arg9: memref<125xi32, #tpu.memory_space<vmem>>, %arg10: memref<125x128xf32, #tpu.memory_space<vmem>>, %arg11: memref<125x128xf32, #tpu.memory_space<vmem>>, %arg12: memref<10240x128xf32, #tpu.memory_space<vmem_shared>>, %arg13: memref<!tpu.dma_semaphore, #tpu.memory_space<semaphore_mem>>, %arg14: memref<!tpu.dma_semaphore, #tpu.memory_space<semaphore_mem>>, %arg15: memref<!tpu.dma_semaphore, #tpu.memory_space<semaphore_mem>>, %arg16: memref<!tpu.dma_semaphore, #tpu.memory_space<semaphore_mem>>, %arg17: memref<!tpu.dma_semaphore, #tpu.memory_space<semaphore_mem>>) attributes {dimension_semantics = [#tpu.dimension_semantics<core_parallel>, #tpu.dimension_semantics<subcore_parallel>], iteration_bounds = array<i64: 2, 16>, scalar_prefetch = 0 : i64, scratch_operands = 12 : i64, tpu.core_type = #tpu.core_type<sc_vector_subcore>, window_params = [{transform_indices = #map}, {transform_indices = #map1}, {transform_indices = #map}, {transform_indices = #map2}]} {
    %mul3A = arith.constant 16 : i32
    %mul3A_0 = arith.muli %arg0, %mul3A : i32
    %add3A = arith.addi %mul3A_0, %arg1 : i32
    %mul3A_1 = arith.constant 640 : i32
    %mul3A_2 = arith.muli %arg1, %mul3A_1 : i32
    %mul3A_3 = arith.constant 640 : i32
    %mul3A_4 = arith.muli %arg1, %mul3A_3 : i32
    %dma_start3A = arith.constant 0 : i32
    %dma_start3A_5 = tpu.memref_slice %arg12[%mul3A_4, %dma_start3A] : memref<10240x128xf32, #tpu.memory_space<vmem_shared>> -> memref<640x128xf32, #tpu.memory_space<vmem_shared>>
    %dma_start3A_6 = arith.constant 0 : i32
    %dma_start3A_7 = tpu.memref_slice %arg4[%mul3A_2, %dma_start3A_6] : memref<10240x128xf32, #tpu.memory_space<hbm>> -> memref<640x128xf32, #tpu.memory_space<hbm>>
    tpu.enqueue_dma source(%dma_start3A_7 : memref<640x128xf32, #tpu.memory_space<hbm>>) target(%dma_start3A_5 : memref<640x128xf32, #tpu.memory_space<vmem_shared>>) target_semaphore(%arg13 : memref<!tpu.dma_semaphore, #tpu.memory_space<semaphore_mem>>)
    %dma_start3A_8 = arith.constant 0 : i32
    %dma_start3A_9 = arith.constant 0 : i32
    %dma_start3A_10 = arith.constant 0 : i32
    %dma_start3A_11 = tpu.memref_slice %arg3[%dma_start3A_8, %add3A, %dma_start3A_9, %dma_start3A_10] : memref<2x32x80x125xi32, #tpu.memory_space<hbm>> -> memref<1x1x1x125xi32, #tpu.memory_space<hbm>>
    %dma_start3A_12 = tpu.memref_squeeze %dma_start3A_11 : memref<1x1x1x125xi32, #tpu.memory_space<hbm>> -> memref<125xi32, #tpu.memory_space<hbm>>
    %dma_start3A_13 = arith.constant 0 : i32
    %dma_start3A_14 = tpu.memref_slice %arg3[%dma_start3A_8, %add3A, %dma_start3A_9, %dma_start3A_13] : memref<2x32x80x125xi32, #tpu.memory_space<hbm>> -> memref<1x1x1x125xi32, #tpu.memory_space<hbm>>
    %dma_start3A_15 = tpu.memref_squeeze %dma_start3A_14 : memref<1x1x1x125xi32, #tpu.memory_space<hbm>> -> memref<125xi32, #tpu.memory_space<hbm>>
    tpu.enqueue_dma source(%dma_start3A_15 : memref<125xi32, #tpu.memory_space<hbm>>) target(%arg6 : memref<125xi32, #tpu.memory_space<vmem>>) target_semaphore(%arg14 : memref<!tpu.dma_semaphore, #tpu.memory_space<semaphore_mem>>)
    %dma_start3A_16 = arith.constant 1 : i32
    %dma_start3A_17 = arith.constant 0 : i32
    %dma_start3A_18 = arith.constant 0 : i32
    %dma_start3A_19 = tpu.memref_slice %arg3[%dma_start3A_16, %add3A, %dma_start3A_17, %dma_start3A_18] : memref<2x32x80x125xi32, #tpu.memory_space<hbm>> -> memref<1x1x1x125xi32, #tpu.memory_space<hbm>>
    %dma_start3A_20 = tpu.memref_squeeze %dma_start3A_19 : memref<1x1x1x125xi32, #tpu.memory_space<hbm>> -> memref<125xi32, #tpu.memory_space<hbm>>
    %dma_start3A_21 = arith.constant 0 : i32
    %dma_start3A_22 = tpu.memref_slice %arg3[%dma_start3A_16, %add3A, %dma_start3A_17, %dma_start3A_21] : memref<2x32x80x125xi32, #tpu.memory_space<hbm>> -> memref<1x1x1x125xi32, #tpu.memory_space<hbm>>
    %dma_start3A_23 = tpu.memref_squeeze %dma_start3A_22 : memref<1x1x1x125xi32, #tpu.memory_space<hbm>> -> memref<125xi32, #tpu.memory_space<hbm>>
    tpu.enqueue_dma source(%dma_start3A_23 : memref<125xi32, #tpu.memory_space<hbm>>) target(%arg8 : memref<125xi32, #tpu.memory_space<vmem>>) target_semaphore(%arg14 : memref<!tpu.dma_semaphore, #tpu.memory_space<semaphore_mem>>)
    %dma_wait3A = arith.constant 0 : i32
    %dma_wait3A_24 = arith.constant 0 : i32
    %dma_wait3A_25 = arith.constant 0 : i32
    %dma_wait3A_26 = tpu.memref_slice %arg3[%dma_wait3A, %add3A, %dma_wait3A_24, %dma_wait3A_25] : memref<2x32x80x125xi32, #tpu.memory_space<hbm>> -> memref<1x1x1x125xi32, #tpu.memory_space<hbm>>
    %dma_wait3A_27 = tpu.memref_squeeze %dma_wait3A_26 : memref<1x1x1x125xi32, #tpu.memory_space<hbm>> -> memref<125xi32, #tpu.memory_space<hbm>>
    %dma_wait3A_28 = arith.constant 0 : i32
    %dma_wait3A_29 = tpu.memref_slice %arg3[%dma_wait3A, %add3A, %dma_wait3A_24, %dma_wait3A_28] : memref<2x32x80x125xi32, #tpu.memory_space<hbm>> -> memref<1x1x1x125xi32, #tpu.memory_space<hbm>>
    %dma_wait3A_30 = tpu.memref_squeeze %dma_wait3A_29 : memref<1x1x1x125xi32, #tpu.memory_space<hbm>> -> memref<125xi32, #tpu.memory_space<hbm>>
    tpu.wait_dma2 semaphore(%arg14 : memref<!tpu.dma_semaphore, #tpu.memory_space<semaphore_mem>>) src(%dma_wait3A_30 : memref<125xi32, #tpu.memory_space<hbm>>) dst(%arg6 : memref<125xi32, #tpu.memory_space<vmem>>)
    %dma_wait3A_31 = arith.constant 1 : i32
    %dma_wait3A_32 = arith.constant 0 : i32
    %dma_wait3A_33 = arith.constant 0 : i32
    %dma_wait3A_34 = tpu.memref_slice %arg3[%dma_wait3A_31, %add3A, %dma_wait3A_32, %dma_wait3A_33] : memref<2x32x80x125xi32, #tpu.memory_space<hbm>> -> memref<1x1x1x125xi32, #tpu.memory_space<hbm>>
    %dma_wait3A_35 = tpu.memref_squeeze %dma_wait3A_34 : memref<1x1x1x125xi32, #tpu.memory_space<hbm>> -> memref<125xi32, #tpu.memory_space<hbm>>
    %dma_wait3A_36 = arith.constant 0 : i32
    %dma_wait3A_37 = tpu.memref_slice %arg3[%dma_wait3A_31, %add3A, %dma_wait3A_32, %dma_wait3A_36] : memref<2x32x80x125xi32, #tpu.memory_space<hbm>> -> memref<1x1x1x125xi32, #tpu.memory_space<hbm>>
    %dma_wait3A_38 = tpu.memref_squeeze %dma_wait3A_37 : memref<1x1x1x125xi32, #tpu.memory_space<hbm>> -> memref<125xi32, #tpu.memory_space<hbm>>
    tpu.wait_dma2 semaphore(%arg14 : memref<!tpu.dma_semaphore, #tpu.memory_space<semaphore_mem>>) src(%dma_wait3A_38 : memref<125xi32, #tpu.memory_space<hbm>>) dst(%arg8 : memref<125xi32, #tpu.memory_space<vmem>>)
    %dma_start3A_39 = arith.constant 0 : i32
    %dma_start3A_40 = arith.constant 0 : i32
    %dma_start3A_41 = tpu.memref_slice %arg2[%dma_start3A_39, %dma_start3A_40] : memref<10000x128xf32, #tpu.memory_space<hbm>> -> memref<10000x128xf32, #tpu.memory_space<hbm>>
    tpu.enqueue_indirect_dma source(%dma_start3A_41 : memref<10000x128xf32, #tpu.memory_space<hbm>>) target(%arg10 : memref<125x128xf32, #tpu.memory_space<vmem>>) offsets(%arg6 : memref<125xi32, #tpu.memory_space<vmem>>) semaphore(%arg16 : memref<!tpu.dma_semaphore, #tpu.memory_space<semaphore_mem>>)
    %dma_start3A_42 = arith.constant 0 : i32
    %dma_start3A_43 = arith.constant 1 : i32
    %dma_start3A_44 = arith.constant 0 : i32
    %dma_start3A_45 = tpu.memref_slice %arg3[%dma_start3A_42, %add3A, %dma_start3A_43, %dma_start3A_44] : memref<2x32x80x125xi32, #tpu.memory_space<hbm>> -> memref<1x1x1x125xi32, #tpu.memory_space<hbm>>
    %dma_start3A_46 = tpu.memref_squeeze %dma_start3A_45 : memref<1x1x1x125xi32, #tpu.memory_space<hbm>> -> memref<125xi32, #tpu.memory_space<hbm>>
    %dma_start3A_47 = arith.constant 0 : i32
    %dma_start3A_48 = tpu.memref_slice %arg3[%dma_start3A_42, %add3A, %dma_start3A_43, %dma_start3A_47] : memref<2x32x80x125xi32, #tpu.memory_space<hbm>> -> memref<1x1x1x125xi32, #tpu.memory_space<hbm>>
    %dma_start3A_49 = tpu.memref_squeeze %dma_start3A_48 : memref<1x1x1x125xi32, #tpu.memory_space<hbm>> -> memref<125xi32, #tpu.memory_space<hbm>>
    tpu.enqueue_dma source(%dma_start3A_49 : memref<125xi32, #tpu.memory_space<hbm>>) target(%arg7 : memref<125xi32, #tpu.memory_space<vmem>>) target_semaphore(%arg15 : memref<!tpu.dma_semaphore, #tpu.memory_space<semaphore_mem>>)
    %dma_start3A_50 = arith.constant 1 : i32
    %dma_start3A_51 = arith.constant 1 : i32
    %dma_start3A_52 = arith.constant 0 : i32
    %dma_start3A_53 = tpu.memref_slice %arg3[%dma_start3A_50, %add3A, %dma_start3A_51, %dma_start3A_52] : memref<2x32x80x125xi32, #tpu.memory_space<hbm>> -> memref<1x1x1x125xi32, #tpu.memory_space<hbm>>
    %dma_start3A_54 = tpu.memref_squeeze %dma_start3A_53 : memref<1x1x1x125xi32, #tpu.memory_space<hbm>> -> memref<125xi32, #tpu.memory_space<hbm>>
    %dma_start3A_55 = arith.constant 0 : i32
    %dma_start3A_56 = tpu.memref_slice %arg3[%dma_start3A_50, %add3A, %dma_start3A_51, %dma_start3A_55] : memref<2x32x80x125xi32, #tpu.memory_space<hbm>> -> memref<1x1x1x125xi32, #tpu.memory_space<hbm>>
    %dma_start3A_57 = tpu.memref_squeeze %dma_start3A_56 : memref<1x1x1x125xi32, #tpu.memory_space<hbm>> -> memref<125xi32, #tpu.memory_space<hbm>>
    tpu.enqueue_dma source(%dma_start3A_57 : memref<125xi32, #tpu.memory_space<hbm>>) target(%arg9 : memref<125xi32, #tpu.memory_space<vmem>>) target_semaphore(%arg15 : memref<!tpu.dma_semaphore, #tpu.memory_space<semaphore_mem>>)
    %dma_wait3A_58 = arith.constant 0 : i32
    %dma_wait3A_59 = tpu.memref_slice %arg12[%mul3A_4, %dma_wait3A_58] : memref<10240x128xf32, #tpu.memory_space<vmem_shared>> -> memref<640x128xf32, #tpu.memory_space<vmem_shared>>
    %dma_wait3A_60 = arith.constant 0 : i32
    %dma_wait3A_61 = tpu.memref_slice %arg4[%mul3A_2, %dma_wait3A_60] : memref<10240x128xf32, #tpu.memory_space<hbm>> -> memref<640x128xf32, #tpu.memory_space<hbm>>
    tpu.wait_dma2 semaphore(%arg13 : memref<!tpu.dma_semaphore, #tpu.memory_space<semaphore_mem>>) src(%dma_wait3A_61 : memref<640x128xf32, #tpu.memory_space<hbm>>) dst(%dma_wait3A_59 : memref<640x128xf32, #tpu.memory_space<vmem_shared>>)
    %barrier3A = arith.constant 0 : index
    tpu.barrier barrier_id(%barrier3A)
    %scan3A = arith.constant 0 : i32
    %scan3A_62 = arith.constant 39 : i32
    %scan3A_63 = arith.addi %scan3A, %scan3A_62 : i32
    %scan3A_64 = arith.constant 1 : i32
    scf.for %scan3A_96 = %scan3A to %scan3A_63 step %scan3A_64  : i32 {
      %mul3A_97 = arith.constant 2 : i32
      %mul3A_98 = arith.muli %scan3A_96, %mul3A_97 : i32
      %add3A_99 = arith.constant 0 : i32
      %add3A_100 = arith.addi %add3A_99, %mul3A_98 : i32
      %dma_wait3A_101 = arith.constant 0 : i32
      %dma_wait3A_102 = arith.constant 0 : i32
      %dma_wait3A_103 = tpu.memref_slice %arg2[%dma_wait3A_101, %dma_wait3A_102] : memref<10000x128xf32, #tpu.memory_space<hbm>> -> memref<10000x128xf32, #tpu.memory_space<hbm>>
      tpu.wait_indirect_dma semaphore(%arg16 : memref<!tpu.dma_semaphore, #tpu.memory_space<semaphore_mem>>) src(%dma_wait3A_103 : memref<10000x128xf32, #tpu.memory_space<hbm>>) dst(%arg10 : memref<125x128xf32, #tpu.memory_space<vmem>>)
      %add3A_104 = arith.constant 1 : i32
      %add3A_105 = arith.addi %add3A_100, %add3A_104 : i32
      %dma_wait3A_106 = arith.constant 0 : i32
      %dma_wait3A_107 = arith.constant 0 : i32
      %dma_wait3A_108 = tpu.memref_slice %arg3[%dma_wait3A_106, %add3A, %add3A_105, %dma_wait3A_107] : memref<2x32x80x125xi32, #tpu.memory_space<hbm>> -> memref<1x1x1x125xi32, #tpu.memory_space<hbm>>
      %dma_wait3A_109 = tpu.memref_squeeze %dma_wait3A_108 : memref<1x1x1x125xi32, #tpu.memory_space<hbm>> -> memref<125xi32, #tpu.memory_space<hbm>>
      %dma_wait3A_110 = arith.constant 0 : i32
      %dma_wait3A_111 = tpu.memref_slice %arg3[%dma_wait3A_106, %add3A, %add3A_105, %dma_wait3A_110] : memref<2x32x80x125xi32, #tpu.memory_space<hbm>> -> memref<1x1x1x125xi32, #tpu.memory_space<hbm>>
      %dma_wait3A_112 = tpu.memref_squeeze %dma_wait3A_111 : memref<1x1x1x125xi32, #tpu.memory_space<hbm>> -> memref<125xi32, #tpu.memory_space<hbm>>
      tpu.wait_dma2 semaphore(%arg15 : memref<!tpu.dma_semaphore, #tpu.memory_space<semaphore_mem>>) src(%dma_wait3A_112 : memref<125xi32, #tpu.memory_space<hbm>>) dst(%arg7 : memref<125xi32, #tpu.memory_space<vmem>>)
      %dma_wait3A_113 = arith.constant 1 : i32
      %dma_wait3A_114 = arith.constant 0 : i32
      %dma_wait3A_115 = tpu.memref_slice %arg3[%dma_wait3A_113, %add3A, %add3A_105, %dma_wait3A_114] : memref<2x32x80x125xi32, #tpu.memory_space<hbm>> -> memref<1x1x1x125xi32, #tpu.memory_space<hbm>>
      %dma_wait3A_116 = tpu.memref_squeeze %dma_wait3A_115 : memref<1x1x1x125xi32, #tpu.memory_space<hbm>> -> memref<125xi32, #tpu.memory_space<hbm>>
      %dma_wait3A_117 = arith.constant 0 : i32
      %dma_wait3A_118 = tpu.memref_slice %arg3[%dma_wait3A_113, %add3A, %add3A_105, %dma_wait3A_117] : memref<2x32x80x125xi32, #tpu.memory_space<hbm>> -> memref<1x1x1x125xi32, #tpu.memory_space<hbm>>
      %dma_wait3A_119 = tpu.memref_squeeze %dma_wait3A_118 : memref<1x1x1x125xi32, #tpu.memory_space<hbm>> -> memref<125xi32, #tpu.memory_space<hbm>>
      tpu.wait_dma2 semaphore(%arg15 : memref<!tpu.dma_semaphore, #tpu.memory_space<semaphore_mem>>) src(%dma_wait3A_119 : memref<125xi32, #tpu.memory_space<hbm>>) dst(%arg9 : memref<125xi32, #tpu.memory_space<vmem>>)
      %dma_start3A_120 = arith.constant 0 : i32
      %dma_start3A_121 = arith.constant 0 : i32
      %dma_start3A_122 = tpu.memref_slice %arg2[%dma_start3A_120, %dma_start3A_121] : memref<10000x128xf32, #tpu.memory_space<hbm>> -> memref<10000x128xf32, #tpu.memory_space<hbm>>
      tpu.enqueue_indirect_dma source(%dma_start3A_122 : memref<10000x128xf32, #tpu.memory_space<hbm>>) target(%arg11 : memref<125x128xf32, #tpu.memory_space<vmem>>) offsets(%arg7 : memref<125xi32, #tpu.memory_space<vmem>>) semaphore(%arg17 : memref<!tpu.dma_semaphore, #tpu.memory_space<semaphore_mem>>)
      "tpu.region"() ({
        %run_scoped3A = tpu.sem_alloc : memref<!tpu.dma_semaphore, #tpu.memory_space<semaphore_mem>>
        %dma_start3A_177 = arith.constant 0 : i32
        %dma_start3A_178 = arith.constant 0 : i32
        %dma_start3A_179 = tpu.memref_slice %arg12[%dma_start3A_177, %dma_start3A_178] : memref<10240x128xf32, #tpu.memory_space<vmem_shared>> -> memref<10240x128xf32, #tpu.memory_space<vmem_shared>>
        tpu.enqueue_indirect_dma source(%arg10 : memref<125x128xf32, #tpu.memory_space<vmem>>) target(%dma_start3A_179 : memref<10240x128xf32, #tpu.memory_space<vmem_shared>>) offsets(%arg8 : memref<125xi32, #tpu.memory_space<vmem>>) semaphore(%run_scoped3A : memref<!tpu.dma_semaphore, #tpu.memory_space<semaphore_mem>>) {add = true}
        %dma_wait3A_180 = arith.constant 0 : i32
        %dma_wait3A_181 = arith.constant 0 : i32
        %dma_wait3A_182 = tpu.memref_slice %arg12[%dma_wait3A_180, %dma_wait3A_181] : memref<10240x128xf32, #tpu.memory_space<vmem_shared>> -> memref<10240x128xf32, #tpu.memory_space<vmem_shared>>
        tpu.wait_indirect_dma semaphore(%run_scoped3A : memref<!tpu.dma_semaphore, #tpu.memory_space<semaphore_mem>>) src(%arg10 : memref<125x128xf32, #tpu.memory_space<vmem>>) dst(%dma_wait3A_182 : memref<10240x128xf32, #tpu.memory_space<vmem_shared>>)
        tpu.yield
      }) : () -> ()
      %add3A_123 = arith.constant 2 : i32
      %add3A_124 = arith.addi %add3A_100, %add3A_123 : i32
      %dma_start3A_125 = arith.constant 0 : i32
      %dma_start3A_126 = arith.constant 0 : i32
      %dma_start3A_127 = tpu.memref_slice %arg3[%dma_start3A_125, %add3A, %add3A_124, %dma_start3A_126] : memref<2x32x80x125xi32, #tpu.memory_space<hbm>> -> memref<1x1x1x125xi32, #tpu.memory_space<hbm>>
      %dma_start3A_128 = tpu.memref_squeeze %dma_start3A_127 : memref<1x1x1x125xi32, #tpu.memory_space<hbm>> -> memref<125xi32, #tpu.memory_space<hbm>>
      %dma_start3A_129 = arith.constant 0 : i32
      %dma_start3A_130 = tpu.memref_slice %arg3[%dma_start3A_125, %add3A, %add3A_124, %dma_start3A_129] : memref<2x32x80x125xi32, #tpu.memory_space<hbm>> -> memref<1x1x1x125xi32, #tpu.memory_space<hbm>>
      %dma_start3A_131 = tpu.memref_squeeze %dma_start3A_130 : memref<1x1x1x125xi32, #tpu.memory_space<hbm>> -> memref<125xi32, #tpu.memory_space<hbm>>
      tpu.enqueue_dma source(%dma_start3A_131 : memref<125xi32, #tpu.memory_space<hbm>>) target(%arg6 : memref<125xi32, #tpu.memory_space<vmem>>) target_semaphore(%arg14 : memref<!tpu.dma_semaphore, #tpu.memory_space<semaphore_mem>>)
      %dma_start3A_132 = arith.constant 1 : i32
      %dma_start3A_133 = arith.constant 0 : i32
      %dma_start3A_134 = tpu.memref_slice %arg3[%dma_start3A_132, %add3A, %add3A_124, %dma_start3A_133] : memref<2x32x80x125xi32, #tpu.memory_space<hbm>> -> memref<1x1x1x125xi32, #tpu.memory_space<hbm>>
      %dma_start3A_135 = tpu.memref_squeeze %dma_start3A_134 : memref<1x1x1x125xi32, #tpu.memory_space<hbm>> -> memref<125xi32, #tpu.memory_space<hbm>>
      %dma_start3A_136 = arith.constant 0 : i32
      %dma_start3A_137 = tpu.memref_slice %arg3[%dma_start3A_132, %add3A, %add3A_124, %dma_start3A_136] : memref<2x32x80x125xi32, #tpu.memory_space<hbm>> -> memref<1x1x1x125xi32, #tpu.memory_space<hbm>>
      %dma_start3A_138 = tpu.memref_squeeze %dma_start3A_137 : memref<1x1x1x125xi32, #tpu.memory_space<hbm>> -> memref<125xi32, #tpu.memory_space<hbm>>
      tpu.enqueue_dma source(%dma_start3A_138 : memref<125xi32, #tpu.memory_space<hbm>>) target(%arg8 : memref<125xi32, #tpu.memory_space<vmem>>) target_semaphore(%arg14 : memref<!tpu.dma_semaphore, #tpu.memory_space<semaphore_mem>>)
      %dma_wait3A_139 = arith.constant 0 : i32
      %dma_wait3A_140 = arith.constant 0 : i32
      %dma_wait3A_141 = tpu.memref_slice %arg2[%dma_wait3A_139, %dma_wait3A_140] : memref<10000x128xf32, #tpu.memory_space<hbm>> -> memref<10000x128xf32, #tpu.memory_space<hbm>>
      tpu.wait_indirect_dma semaphore(%arg17 : memref<!tpu.dma_semaphore, #tpu.memory_space<semaphore_mem>>) src(%dma_wait3A_141 : memref<10000x128xf32, #tpu.memory_space<hbm>>) dst(%arg11 : memref<125x128xf32, #tpu.memory_space<vmem>>)
      %add3A_142 = arith.constant 2 : i32
      %add3A_143 = arith.addi %add3A_100, %add3A_142 : i32
      %dma_wait3A_144 = arith.constant 0 : i32
      %dma_wait3A_145 = arith.constant 0 : i32
      %dma_wait3A_146 = tpu.memref_slice %arg3[%dma_wait3A_144, %add3A, %add3A_143, %dma_wait3A_145] : memref<2x32x80x125xi32, #tpu.memory_space<hbm>> -> memref<1x1x1x125xi32, #tpu.memory_space<hbm>>
      %dma_wait3A_147 = tpu.memref_squeeze %dma_wait3A_146 : memref<1x1x1x125xi32, #tpu.memory_space<hbm>> -> memref<125xi32, #tpu.memory_space<hbm>>
      %dma_wait3A_148 = arith.constant 0 : i32
      %dma_wait3A_149 = tpu.memref_slice %arg3[%dma_wait3A_144, %add3A, %add3A_143, %dma_wait3A_148] : memref<2x32x80x125xi32, #tpu.memory_space<hbm>> -> memref<1x1x1x125xi32, #tpu.memory_space<hbm>>
      %dma_wait3A_150 = tpu.memref_squeeze %dma_wait3A_149 : memref<1x1x1x125xi32, #tpu.memory_space<hbm>> -> memref<125xi32, #tpu.memory_space<hbm>>
      tpu.wait_dma2 semaphore(%arg14 : memref<!tpu.dma_semaphore, #tpu.memory_space<semaphore_mem>>) src(%dma_wait3A_150 : memref<125xi32, #tpu.memory_space<hbm>>) dst(%arg6 : memref<125xi32, #tpu.memory_space<vmem>>)
      %dma_wait3A_151 = arith.constant 1 : i32
      %dma_wait3A_152 = arith.constant 0 : i32
      %dma_wait3A_153 = tpu.memref_slice %arg3[%dma_wait3A_151, %add3A, %add3A_143, %dma_wait3A_152] : memref<2x32x80x125xi32, #tpu.memory_space<hbm>> -> memref<1x1x1x125xi32, #tpu.memory_space<hbm>>
      %dma_wait3A_154 = tpu.memref_squeeze %dma_wait3A_153 : memref<1x1x1x125xi32, #tpu.memory_space<hbm>> -> memref<125xi32, #tpu.memory_space<hbm>>
      %dma_wait3A_155 = arith.constant 0 : i32
      %dma_wait3A_156 = tpu.memref_slice %arg3[%dma_wait3A_151, %add3A, %add3A_143, %dma_wait3A_155] : memref<2x32x80x125xi32, #tpu.memory_space<hbm>> -> memref<1x1x1x125xi32, #tpu.memory_space<hbm>>
      %dma_wait3A_157 = tpu.memref_squeeze %dma_wait3A_156 : memref<1x1x1x125xi32, #tpu.memory_space<hbm>> -> memref<125xi32, #tpu.memory_space<hbm>>
      tpu.wait_dma2 semaphore(%arg14 : memref<!tpu.dma_semaphore, #tpu.memory_space<semaphore_mem>>) src(%dma_wait3A_157 : memref<125xi32, #tpu.memory_space<hbm>>) dst(%arg8 : memref<125xi32, #tpu.memory_space<vmem>>)
      %dma_start3A_158 = arith.constant 0 : i32
      %dma_start3A_159 = arith.constant 0 : i32
      %dma_start3A_160 = tpu.memref_slice %arg2[%dma_start3A_158, %dma_start3A_159] : memref<10000x128xf32, #tpu.memory_space<hbm>> -> memref<10000x128xf32, #tpu.memory_space<hbm>>
      tpu.enqueue_indirect_dma source(%dma_start3A_160 : memref<10000x128xf32, #tpu.memory_space<hbm>>) target(%arg10 : memref<125x128xf32, #tpu.memory_space<vmem>>) offsets(%arg6 : memref<125xi32, #tpu.memory_space<vmem>>) semaphore(%arg16 : memref<!tpu.dma_semaphore, #tpu.memory_space<semaphore_mem>>)
      "tpu.region"() ({
        %run_scoped3A = tpu.sem_alloc : memref<!tpu.dma_semaphore, #tpu.memory_space<semaphore_mem>>
        %dma_start3A_177 = arith.constant 0 : i32
        %dma_start3A_178 = arith.constant 0 : i32
        %dma_start3A_179 = tpu.memref_slice %arg12[%dma_start3A_177, %dma_start3A_178] : memref<10240x128xf32, #tpu.memory_space<vmem_shared>> -> memref<10240x128xf32, #tpu.memory_space<vmem_shared>>
        tpu.enqueue_indirect_dma source(%arg11 : memref<125x128xf32, #tpu.memory_space<vmem>>) target(%dma_start3A_179 : memref<10240x128xf32, #tpu.memory_space<vmem_shared>>) offsets(%arg9 : memref<125xi32, #tpu.memory_space<vmem>>) semaphore(%run_scoped3A : memref<!tpu.dma_semaphore, #tpu.memory_space<semaphore_mem>>) {add = true}
        %dma_wait3A_180 = arith.constant 0 : i32
        %dma_wait3A_181 = arith.constant 0 : i32
        %dma_wait3A_182 = tpu.memref_slice %arg12[%dma_wait3A_180, %dma_wait3A_181] : memref<10240x128xf32, #tpu.memory_space<vmem_shared>> -> memref<10240x128xf32, #tpu.memory_space<vmem_shared>>
        tpu.wait_indirect_dma semaphore(%run_scoped3A : memref<!tpu.dma_semaphore, #tpu.memory_space<semaphore_mem>>) src(%arg11 : memref<125x128xf32, #tpu.memory_space<vmem>>) dst(%dma_wait3A_182 : memref<10240x128xf32, #tpu.memory_space<vmem_shared>>)
        tpu.yield
      }) : () -> ()
      %add3A_161 = arith.constant 3 : i32
      %add3A_162 = arith.addi %add3A_100, %add3A_161 : i32
      %dma_start3A_163 = arith.constant 0 : i32
      %dma_start3A_164 = arith.constant 0 : i32
      %dma_start3A_165 = tpu.memref_slice %arg3[%dma_start3A_163, %add3A, %add3A_162, %dma_start3A_164] : memref<2x32x80x125xi32, #tpu.memory_space<hbm>> -> memref<1x1x1x125xi32, #tpu.memory_space<hbm>>
      %dma_start3A_166 = tpu.memref_squeeze %dma_start3A_165 : memref<1x1x1x125xi32, #tpu.memory_space<hbm>> -> memref<125xi32, #tpu.memory_space<hbm>>
      %dma_start3A_167 = arith.constant 0 : i32
      %dma_start3A_168 = tpu.memref_slice %arg3[%dma_start3A_163, %add3A, %add3A_162, %dma_start3A_167] : memref<2x32x80x125xi32, #tpu.memory_space<hbm>> -> memref<1x1x1x125xi32, #tpu.memory_space<hbm>>
      %dma_start3A_169 = tpu.memref_squeeze %dma_start3A_168 : memref<1x1x1x125xi32, #tpu.memory_space<hbm>> -> memref<125xi32, #tpu.memory_space<hbm>>
      tpu.enqueue_dma source(%dma_start3A_169 : memref<125xi32, #tpu.memory_space<hbm>>) target(%arg7 : memref<125xi32, #tpu.memory_space<vmem>>) target_semaphore(%arg15 : memref<!tpu.dma_semaphore, #tpu.memory_space<semaphore_mem>>)
      %dma_start3A_170 = arith.constant 1 : i32
      %dma_start3A_171 = arith.constant 0 : i32
      %dma_start3A_172 = tpu.memref_slice %arg3[%dma_start3A_170, %add3A, %add3A_162, %dma_start3A_171] : memref<2x32x80x125xi32, #tpu.memory_space<hbm>> -> memref<1x1x1x125xi32, #tpu.memory_space<hbm>>
      %dma_start3A_173 = tpu.memref_squeeze %dma_start3A_172 : memref<1x1x1x125xi32, #tpu.memory_space<hbm>> -> memref<125xi32, #tpu.memory_space<hbm>>
      %dma_start3A_174 = arith.constant 0 : i32
      %dma_start3A_175 = tpu.memref_slice %arg3[%dma_start3A_170, %add3A, %add3A_162, %dma_start3A_174] : memref<2x32x80x125xi32, #tpu.memory_space<hbm>> -> memref<1x1x1x125xi32, #tpu.memory_space<hbm>>
      %dma_start3A_176 = tpu.memref_squeeze %dma_start3A_175 : memref<1x1x1x125xi32, #tpu.memory_space<hbm>> -> memref<125xi32, #tpu.memory_space<hbm>>
      tpu.enqueue_dma source(%dma_start3A_176 : memref<125xi32, #tpu.memory_space<hbm>>) target(%arg9 : memref<125xi32, #tpu.memory_space<vmem>>) target_semaphore(%arg15 : memref<!tpu.dma_semaphore, #tpu.memory_space<semaphore_mem>>)
    }
    %scan3A_65 = arith.constant 39 : i32
    %dma_wait3A_66 = arith.constant 0 : i32
    %dma_wait3A_67 = arith.constant 0 : i32
    %dma_wait3A_68 = tpu.memref_slice %arg2[%dma_wait3A_66, %dma_wait3A_67] : memref<10000x128xf32, #tpu.memory_space<hbm>> -> memref<10000x128xf32, #tpu.memory_space<hbm>>
    tpu.wait_indirect_dma semaphore(%arg16 : memref<!tpu.dma_semaphore, #tpu.memory_space<semaphore_mem>>) src(%dma_wait3A_68 : memref<10000x128xf32, #tpu.memory_space<hbm>>) dst(%arg10 : memref<125x128xf32, #tpu.memory_space<vmem>>)
    %dma_wait3A_69 = arith.constant 0 : i32
    %dma_wait3A_70 = arith.constant 79 : i32
    %dma_wait3A_71 = arith.constant 0 : i32
    %dma_wait3A_72 = tpu.memref_slice %arg3[%dma_wait3A_69, %add3A, %dma_wait3A_70, %dma_wait3A_71] : memref<2x32x80x125xi32, #tpu.memory_space<hbm>> -> memref<1x1x1x125xi32, #tpu.memory_space<hbm>>
    %dma_wait3A_73 = tpu.memref_squeeze %dma_wait3A_72 : memref<1x1x1x125xi32, #tpu.memory_space<hbm>> -> memref<125xi32, #tpu.memory_space<hbm>>
    %dma_wait3A_74 = arith.constant 0 : i32
    %dma_wait3A_75 = tpu.memref_slice %arg3[%dma_wait3A_69, %add3A, %dma_wait3A_70, %dma_wait3A_74] : memref<2x32x80x125xi32, #tpu.memory_space<hbm>> -> memref<1x1x1x125xi32, #tpu.memory_space<hbm>>
    %dma_wait3A_76 = tpu.memref_squeeze %dma_wait3A_75 : memref<1x1x1x125xi32, #tpu.memory_space<hbm>> -> memref<125xi32, #tpu.memory_space<hbm>>
    tpu.wait_dma2 semaphore(%arg15 : memref<!tpu.dma_semaphore, #tpu.memory_space<semaphore_mem>>) src(%dma_wait3A_76 : memref<125xi32, #tpu.memory_space<hbm>>) dst(%arg7 : memref<125xi32, #tpu.memory_space<vmem>>)
    %dma_wait3A_77 = arith.constant 1 : i32
    %dma_wait3A_78 = arith.constant 79 : i32
    %dma_wait3A_79 = arith.constant 0 : i32
    %dma_wait3A_80 = tpu.memref_slice %arg3[%dma_wait3A_77, %add3A, %dma_wait3A_78, %dma_wait3A_79] : memref<2x32x80x125xi32, #tpu.memory_space<hbm>> -> memref<1x1x1x125xi32, #tpu.memory_space<hbm>>
    %dma_wait3A_81 = tpu.memref_squeeze %dma_wait3A_80 : memref<1x1x1x125xi32, #tpu.memory_space<hbm>> -> memref<125xi32, #tpu.memory_space<hbm>>
    %dma_wait3A_82 = arith.constant 0 : i32
    %dma_wait3A_83 = tpu.memref_slice %arg3[%dma_wait3A_77, %add3A, %dma_wait3A_78, %dma_wait3A_82] : memref<2x32x80x125xi32, #tpu.memory_space<hbm>> -> memref<1x1x1x125xi32, #tpu.memory_space<hbm>>
    %dma_wait3A_84 = tpu.memref_squeeze %dma_wait3A_83 : memref<1x1x1x125xi32, #tpu.memory_space<hbm>> -> memref<125xi32, #tpu.memory_space<hbm>>
    tpu.wait_dma2 semaphore(%arg15 : memref<!tpu.dma_semaphore, #tpu.memory_space<semaphore_mem>>) src(%dma_wait3A_84 : memref<125xi32, #tpu.memory_space<hbm>>) dst(%arg9 : memref<125xi32, #tpu.memory_space<vmem>>)
    %dma_start3A_85 = arith.constant 0 : i32
    %dma_start3A_86 = arith.constant 0 : i32
    %dma_start3A_87 = tpu.memref_slice %arg2[%dma_start3A_85, %dma_start3A_86] : memref<10000x128xf32, #tpu.memory_space<hbm>> -> memref<10000x128xf32, #tpu.memory_space<hbm>>
    tpu.enqueue_indirect_dma source(%dma_start3A_87 : memref<10000x128xf32, #tpu.memory_space<hbm>>) target(%arg11 : memref<125x128xf32, #tpu.memory_space<vmem>>) offsets(%arg7 : memref<125xi32, #tpu.memory_space<vmem>>) semaphore(%arg17 : memref<!tpu.dma_semaphore, #tpu.memory_space<semaphore_mem>>)
    "tpu.region"() ({
      %run_scoped3A = tpu.sem_alloc : memref<!tpu.dma_semaphore, #tpu.memory_space<semaphore_mem>>
      %dma_start3A_96 = arith.constant 0 : i32
      %dma_start3A_97 = arith.constant 0 : i32
      %dma_start3A_98 = tpu.memref_slice %arg12[%dma_start3A_96, %dma_start3A_97] : memref<10240x128xf32, #tpu.memory_space<vmem_shared>> -> memref<10240x128xf32, #tpu.memory_space<vmem_shared>>
      tpu.enqueue_indirect_dma source(%arg10 : memref<125x128xf32, #tpu.memory_space<vmem>>) target(%dma_start3A_98 : memref<10240x128xf32, #tpu.memory_space<vmem_shared>>) offsets(%arg8 : memref<125xi32, #tpu.memory_space<vmem>>) semaphore(%run_scoped3A : memref<!tpu.dma_semaphore, #tpu.memory_space<semaphore_mem>>) {add = true}
      %dma_wait3A_99 = arith.constant 0 : i32
      %dma_wait3A_100 = arith.constant 0 : i32
      %dma_wait3A_101 = tpu.memref_slice %arg12[%dma_wait3A_99, %dma_wait3A_100] : memref<10240x128xf32, #tpu.memory_space<vmem_shared>> -> memref<10240x128xf32, #tpu.memory_space<vmem_shared>>
      tpu.wait_indirect_dma semaphore(%run_scoped3A : memref<!tpu.dma_semaphore, #tpu.memory_space<semaphore_mem>>) src(%arg10 : memref<125x128xf32, #tpu.memory_space<vmem>>) dst(%dma_wait3A_101 : memref<10240x128xf32, #tpu.memory_space<vmem_shared>>)
      tpu.yield
    }) : () -> ()
    %dma_wait3A_88 = arith.constant 0 : i32
    %dma_wait3A_89 = arith.constant 0 : i32
    %dma_wait3A_90 = tpu.memref_slice %arg2[%dma_wait3A_88, %dma_wait3A_89] : memref<10000x128xf32, #tpu.memory_space<hbm>> -> memref<10000x128xf32, #tpu.memory_space<hbm>>
    tpu.wait_indirect_dma semaphore(%arg17 : memref<!tpu.dma_semaphore, #tpu.memory_space<semaphore_mem>>) src(%dma_wait3A_90 : memref<10000x128xf32, #tpu.memory_space<hbm>>) dst(%arg11 : memref<125x128xf32, #tpu.memory_space<vmem>>)
    "tpu.region"() ({
      %run_scoped3A = tpu.sem_alloc : memref<!tpu.dma_semaphore, #tpu.memory_space<semaphore_mem>>
      %dma_start3A_96 = arith.constant 0 : i32
      %dma_start3A_97 = arith.constant 0 : i32
      %dma_start3A_98 = tpu.memref_slice %arg12[%dma_start3A_96, %dma_start3A_97] : memref<10240x128xf32, #tpu.memory_space<vmem_shared>> -> memref<10240x128xf32, #tpu.memory_space<vmem_shared>>
      tpu.enqueue_indirect_dma source(%arg11 : memref<125x128xf32, #tpu.memory_space<vmem>>) target(%dma_start3A_98 : memref<10240x128xf32, #tpu.memory_space<vmem_shared>>) offsets(%arg9 : memref<125xi32, #tpu.memory_space<vmem>>) semaphore(%run_scoped3A : memref<!tpu.dma_semaphore, #tpu.memory_space<semaphore_mem>>) {add = true}
      %dma_wait3A_99 = arith.constant 0 : i32
      %dma_wait3A_100 = arith.constant 0 : i32
      %dma_wait3A_101 = tpu.memref_slice %arg12[%dma_wait3A_99, %dma_wait3A_100] : memref<10240x128xf32, #tpu.memory_space<vmem_shared>> -> memref<10240x128xf32, #tpu.memory_space<vmem_shared>>
      tpu.wait_indirect_dma semaphore(%run_scoped3A : memref<!tpu.dma_semaphore, #tpu.memory_space<semaphore_mem>>) src(%arg11 : memref<125x128xf32, #tpu.memory_space<vmem>>) dst(%dma_wait3A_101 : memref<10240x128xf32, #tpu.memory_space<vmem_shared>>)
      tpu.yield
    }) : () -> ()
    %barrier3A_91 = arith.constant 0 : index
    tpu.barrier barrier_id(%barrier3A_91)
    %mul3A_92 = arith.constant 640 : i32
    %mul3A_93 = arith.muli %arg1, %mul3A_92 : i32
    %mul3A_94 = arith.constant 640 : i32
    %mul3A_95 = arith.muli %arg1, %mul3A_94 : i32
    "tpu.region"() ({
      %run_scoped3A = tpu.sem_alloc : memref<!tpu.dma_semaphore, #tpu.memory_space<semaphore_mem>>
      %dma_start3A_96 = arith.constant 0 : i32
      %dma_start3A_97 = tpu.memref_slice %arg5[%arg0, %mul3A_95, %dma_start3A_96] : memref<2x10240x128xf32, #tpu.memory_space<hbm>> -> memref<1x640x128xf32, #tpu.memory_space<hbm>>
      %dma_start3A_98 = tpu.memref_squeeze %dma_start3A_97 : memref<1x640x128xf32, #tpu.memory_space<hbm>> -> memref<640x128xf32, #tpu.memory_space<hbm>>
      %dma_start3A_99 = arith.constant 0 : i32
      %dma_start3A_100 = tpu.memref_slice %arg12[%mul3A_93, %dma_start3A_99] : memref<10240x128xf32, #tpu.memory_space<vmem_shared>> -> memref<640x128xf32, #tpu.memory_space<vmem_shared>>
      tpu.enqueue_dma source(%dma_start3A_100 : memref<640x128xf32, #tpu.memory_space<vmem_shared>>) target(%dma_start3A_98 : memref<640x128xf32, #tpu.memory_space<hbm>>) target_semaphore(%run_scoped3A : memref<!tpu.dma_semaphore, #tpu.memory_space<semaphore_mem>>)
      %dma_wait3A_101 = arith.constant 0 : i32
      %dma_wait3A_102 = tpu.memref_slice %arg5[%arg0, %mul3A_95, %dma_wait3A_101] : memref<2x10240x128xf32, #tpu.memory_space<hbm>> -> memref<1x640x128xf32, #tpu.memory_space<hbm>>
      %dma_wait3A_103 = tpu.memref_squeeze %dma_wait3A_102 : memref<1x640x128xf32, #tpu.memory_space<hbm>> -> memref<640x128xf32, #tpu.memory_space<hbm>>
      %dma_wait3A_104 = arith.constant 0 : i32
      %dma_wait3A_105 = tpu.memref_slice %arg12[%mul3A_93, %dma_wait3A_104] : memref<10240x128xf32, #tpu.memory_space<vmem_shared>> -> memref<640x128xf32, #tpu.memory_space<vmem_shared>>
      tpu.wait_dma2 semaphore(%run_scoped3A : memref<!tpu.dma_semaphore, #tpu.memory_space<semaphore_mem>>) src(%dma_wait3A_105 : memref<640x128xf32, #tpu.memory_space<vmem_shared>>) dst(%dma_wait3A_103 : memref<640x128xf32, #tpu.memory_space<hbm>>)
      tpu.yield
    }) : () -> ()
    return
  }
}

module attributes {stable_mosaic.version = 14 : i64} {
  func.func @_hw_body(%arg0: i32, %arg1: memref<1000x128xf32, #tpu.memory_space<vmem>>, %arg2: memref<128x128xf32, #tpu.memory_space<vmem>>, %arg3: memref<2x1000x16xf32, #tpu.memory_space<vmem>>, %arg4: memref<1000x128xf32, #tpu.memory_space<vmem>>) attributes {dimension_semantics = [#tpu.dimension_semantics<arbitrary>], iteration_bounds = array<i64: 10>, scalar_prefetch = 0 : i64, scratch_operands = 0 : i64, tpu.core_type = #tpu.core_type<tc>, window_params = [{transform_indices = @transform_0, window_bounds = array<i64: 1000, 128>}, {pipeline_mode = #tpu.pipeline_mode<synchronous>, transform_indices = @transform_1, window_bounds = array<i64: 128, 128>}, {transform_indices = @transform_2, window_bounds = array<i64: 2, 1000, 16>}, {transform_indices = @transform_3, window_bounds = array<i64: 1000, 128>}]} {
    %get3A = arith.constant 0 : index
    %get3A_0 = arith.constant 0 : index
    %get3A_1 = arith.constant 0 : index
    %get3A_2 = vector.load %arg3[%get3A, %get3A_0, %get3A_1] : memref<2x1000x16xf32, #tpu.memory_space<vmem>>, vector<1x1000x16xf32>
    %get3A_3 = vector.shape_cast %get3A_2 : vector<1x1000x16xf32> to vector<1000x16xf32>
    %get3A_4 = arith.constant 1 : index
    %get3A_5 = arith.constant 0 : index
    %get3A_6 = arith.constant 0 : index
    %get3A_7 = vector.load %arg3[%get3A_4, %get3A_5, %get3A_6] : memref<2x1000x16xf32, #tpu.memory_space<vmem>>, vector<1x1000x16xf32>
    %get3A_8 = vector.shape_cast %get3A_7 : vector<1x1000x16xf32> to vector<1000x16xf32>
    %add3A = arith.addf %get3A_3, %get3A_8 : vector<1000x16xf32>
    %slice3A = vector.extract_strided_slice %add3A {offsets = [0, 0], sizes = [1000, 1], strides = [1, 1]} : vector<1000x16xf32> to vector<1000x1xf32>
    %jit3A = arith.constant 1.000000e+00 : f32
    %max3A = vector.broadcast %jit3A : f32 to vector<1000x1xf32>
    %max3A_9 = arith.maximumf %max3A, %slice3A : vector<1000x1xf32>
    %rsqrt3A = math.rsqrt %max3A_9 : vector<1000x1xf32>
    %get3A_10 = arith.constant 0 : index
    %get3A_11 = arith.constant 0 : index
    %get3A_12 = vector.load %arg1[%get3A_10, %get3A_11] : memref<1000x128xf32, #tpu.memory_space<vmem>>, vector<1000x128xf32>
    %mul3A = vector.broadcast %rsqrt3A : vector<1000x1xf32> to vector<1000x128xf32>
    %mul3A_13 = arith.mulf %get3A_12, %mul3A : vector<1000x128xf32>
    %get3A_14 = arith.constant 0 : index
    %get3A_15 = arith.constant 0 : index
    %get3A_16 = vector.load %arg2[%get3A_14, %get3A_15] : memref<128x128xf32, #tpu.memory_space<vmem>>, vector<128x128xf32>
    %dot_general3A = arith.constant dense<0.000000e+00> : vector<1000x128xf32>
    %dot_general3A_17 = tpu.matmul %mul3A_13, %get3A_16, %dot_general3A {dimension_numbers = #tpu.dot_dimension_numbers<[1], [0], [0], [1], [0, 0, 1, 1], [], []>, transpose_lhs_hint = false} : vector<1000x128xf32>, vector<128x128xf32>, vector<1000x128xf32> -> vector<1000x128xf32>
    %swap3A = arith.constant 0 : index
    %swap3A_18 = arith.constant 0 : index
    %swap3A_19 = vector.load %arg4[%swap3A, %swap3A_18] : memref<1000x128xf32, #tpu.memory_space<vmem>>, vector<1000x128xf32>
    tpu.vector_store %arg4[%swap3A, %swap3A_18], %dot_general3A_17 {strides = array<i32>} : memref<1000x128xf32, #tpu.memory_space<vmem>>, vector<1000x128xf32>,
    return
  }
  func.func @transform_0(%arg0: i32) -> (i32, i32) {
    %c0_i32 = arith.constant 0 : i32
    %c0_i32_0 = arith.constant 0 : i32
    return %arg0, %c0_i32 : i32, i32
  }
  func.func @transform_1(%arg0: i32) -> (i32, i32) {
    %c0_i32 = arith.constant 0 : i32
    %c0_i32_0 = arith.constant 0 : i32
    %c0_i32_1 = arith.constant 0 : i32
    return %c0_i32, %c0_i32_0 : i32, i32
  }
  func.func @transform_2(%arg0: i32) -> (i32, i32, i32) {
    %c0_i32 = arith.constant 0 : i32
    %c0_i32_0 = arith.constant 0 : i32
    %c0_i32_1 = arith.constant 0 : i32
    return %c0_i32, %arg0, %c0_i32_0 : i32, i32, i32
  }
  func.func @transform_3(%arg0: i32) -> (i32, i32) {
    %c0_i32 = arith.constant 0 : i32
    %c0_i32_0 = arith.constant 0 : i32
    return %arg0, %c0_i32 : i32, i32
  }
}

module attributes {stable_mosaic.version = 14 : i64} {
  func.func @_final_body(%arg0: i32, %arg1: memref<2x1000x128xf32, #tpu.memory_space<vmem>>, %arg2: memref<2x1000x16xf32, #tpu.memory_space<vmem>>, %arg3: memref<1x128xf32, #tpu.memory_space<vmem>>, %arg4: memref<1000x128xf32, #tpu.memory_space<vmem>>) attributes {dimension_semantics = [#tpu.dimension_semantics<arbitrary>], iteration_bounds = array<i64: 10>, scalar_prefetch = 0 : i64, scratch_operands = 0 : i64, tpu.core_type = #tpu.core_type<tc>, window_params = [{transform_indices = @transform_0, window_bounds = array<i64: 2, 1000, 128>}, {transform_indices = @transform_1, window_bounds = array<i64: 2, 1000, 16>}, {pipeline_mode = #tpu.pipeline_mode<synchronous>, transform_indices = @transform_2, window_bounds = array<i64: 1, 128>}, {transform_indices = @transform_3, window_bounds = array<i64: 1000, 128>}]} {
    %get3A = arith.constant 0 : index
    %get3A_0 = arith.constant 0 : index
    %get3A_1 = arith.constant 0 : index
    %get3A_2 = vector.load %arg1[%get3A, %get3A_0, %get3A_1] : memref<2x1000x128xf32, #tpu.memory_space<vmem>>, vector<1x1000x128xf32>
    %get3A_3 = vector.shape_cast %get3A_2 : vector<1x1000x128xf32> to vector<1000x128xf32>
    %get3A_4 = arith.constant 1 : index
    %get3A_5 = arith.constant 0 : index
    %get3A_6 = arith.constant 0 : index
    %get3A_7 = vector.load %arg1[%get3A_4, %get3A_5, %get3A_6] : memref<2x1000x128xf32, #tpu.memory_space<vmem>>, vector<1x1000x128xf32>
    %get3A_8 = vector.shape_cast %get3A_7 : vector<1x1000x128xf32> to vector<1000x128xf32>
    %add3A = arith.addf %get3A_3, %get3A_8 : vector<1000x128xf32>
    %get3A_9 = arith.constant 0 : index
    %get3A_10 = arith.constant 0 : index
    %get3A_11 = arith.constant 0 : index
    %get3A_12 = vector.load %arg2[%get3A_9, %get3A_10, %get3A_11] : memref<2x1000x16xf32, #tpu.memory_space<vmem>>, vector<1x1000x16xf32>
    %get3A_13 = vector.shape_cast %get3A_12 : vector<1x1000x16xf32> to vector<1000x16xf32>
    %get3A_14 = arith.constant 1 : index
    %get3A_15 = arith.constant 0 : index
    %get3A_16 = arith.constant 0 : index
    %get3A_17 = vector.load %arg2[%get3A_14, %get3A_15, %get3A_16] : memref<2x1000x16xf32, #tpu.memory_space<vmem>>, vector<1x1000x16xf32>
    %get3A_18 = vector.shape_cast %get3A_17 : vector<1x1000x16xf32> to vector<1000x16xf32>
    %add3A_19 = arith.addf %get3A_13, %get3A_18 : vector<1000x16xf32>
    %slice3A = vector.extract_strided_slice %add3A_19 {offsets = [0, 0], sizes = [1000, 1], strides = [1, 1]} : vector<1000x16xf32> to vector<1000x1xf32>
    %jit3A = arith.constant 1.000000e+00 : f32
    %max3A = vector.broadcast %jit3A : f32 to vector<1000x1xf32>
    %max3A_20 = arith.maximumf %max3A, %slice3A : vector<1000x1xf32>
    %rsqrt3A = math.rsqrt %max3A_20 : vector<1000x1xf32>
    %mul3A = vector.broadcast %rsqrt3A : vector<1000x1xf32> to vector<1000x128xf32>
    %mul3A_21 = arith.mulf %add3A, %mul3A : vector<1000x128xf32>
    %get3A_22 = arith.constant 0 : index
    %get3A_23 = arith.constant 0 : index
    %get3A_24 = vector.load %arg3[%get3A_22, %get3A_23] : memref<1x128xf32, #tpu.memory_space<vmem>>, vector<1x128xf32>
    %add3A_25 = vector.broadcast %get3A_24 : vector<1x128xf32> to vector<1000x128xf32>
    %add3A_26 = arith.addf %mul3A_21, %add3A_25 : vector<1000x128xf32>
    %ge3A = arith.constant 0.000000e+00 : f32
    %ge3A_27 = vector.broadcast %ge3A : f32 to vector<1000x128xf32>
    %ge3A_28 = arith.cmpf oge, %add3A_26, %ge3A_27 : vector<1000x128xf32>
    %mul3A_29 = arith.constant 0.00999999977 : f32
    %mul3A_30 = vector.broadcast %mul3A_29 : f32 to vector<1000x128xf32>
    %mul3A_31 = arith.mulf %mul3A_30, %add3A_26 : vector<1000x128xf32>
    %select_n3A = arith.select %ge3A_28, %add3A_26, %mul3A_31 : vector<1000x128xi1>, vector<1000x128xf32>
    %swap3A = arith.constant 0 : index
    %swap3A_32 = arith.constant 0 : index
    %swap3A_33 = vector.load %arg4[%swap3A, %swap3A_32] : memref<1000x128xf32, #tpu.memory_space<vmem>>, vector<1000x128xf32>
    tpu.vector_store %arg4[%swap3A, %swap3A_32], %select_n3A {strides = array<i32>} : memref<1000x128xf32, #tpu.memory_space<vmem>>, vector<1000x128xf32>,
    return
  }
  func.func @transform_0(%arg0: i32) -> (i32, i32, i32) {
    %c0_i32 = arith.constant 0 : i32
    %c0_i32_0 = arith.constant 0 : i32
    %c0_i32_1 = arith.constant 0 : i32
    return %c0_i32, %arg0, %c0_i32_0 : i32, i32, i32
  }
  func.func @transform_1(%arg0: i32) -> (i32, i32, i32) {
    %c0_i32 = arith.constant 0 : i32
    %c0_i32_0 = arith.constant 0 : i32
    %c0_i32_1 = arith.constant 0 : i32
    return %c0_i32, %arg0, %c0_i32_0 : i32, i32, i32
  }
  func.func @transform_2(%arg0: i32) -> (i32, i32) {
    %c0_i32 = arith.constant 0 : i32
    %c0_i32_0 = arith.constant 0 : i32
    %c0_i32_1 = arith.constant 0 : i32
    return %c0_i32, %c0_i32_0 : i32, i32
  }
  func.func @transform_3(%arg0: i32) -> (i32, i32) {
    %c0_i32 = arith.constant 0 : i32
    %c0_i32_0 = arith.constant 0 : i32
    return %arg0, %c0_i32 : i32, i32
  }
}

</mosaic_0001>

<sc_bundles>
// kernel: kernel.6.cloned.1.call-start
scs
__scs_entry_jumppad:
0x0: {  	(pc) =	sbr.rel $0x88, $3  }
0x1: {  	(tag) =	ssettag $0x0;
	lr =	simm.s32 $0x1  }
0x2: {  	[smem:$0x3F9D] =	sst lr;
	_ =	strace $0xD0000000  }
0x3: {  	_ = 	snop  }
0x4: {  	_ = 	snop  }
0x5: {  	_ = 	snop  }
0x6: {  	_ = 	snop  }
0x7: {  	_ = 	snop  }
__scs_overlays_trampoline_lowered:
0x8: {  	[smem:$0x3FAC] =	sst s0  }
0x9: {  	[smem:$0x3FAD] =	sst s1  }
0xa: {  	[smem:$0x3FAE] =	sst s2  }
0xb: {  	[smem:$0x3FAF] =	sst s3  }
0xc: {  	[smem:$0x3FB0] =	sst s4  }
0xd: {  	[smem:$0x3FB1] =	sst s5  }
0xe: {  	[smem:$0x3FB2] =	sst s6  }
0xf: {  	[smem:$0x3FB3] =	sst s7  }
0x10: {  	[smem:$0x3FB4] =	sst s8  }
0x11: {  	[smem:$0x3FB5] =	sst s9;
	s0 =	simm.s32 @!p0 $0x0  }
0x12: {  	s1 =	sld [smem:$0x3F9B];
	s0 =	simm.s32 @p0 $0x1  }
0x13: {  	[smem:$0x3FB6] =	sst s0;
	s0 =	simm.s32 @!p1 $0x0  }
0x14: {  	s2 =	sld [smem:$0x3F9A];
	s0 =	simm.s32 @p1 $0x1  }
0x15: {  	[smem:$0x3FB7] =	sst s0;
	s0 =	simm.s32 @!p2 $0x0  }
0x16: {  	s3 =	sld [smem:$0x3FDB];
	s0 =	simm.s32 @p2 $0x1  }
0x17: {  	s4 =	simm.s32 $0x1BF5;
	[smem:$0x3FB9] =	sst s0  }
0x18: {  	s0 =	sld [smem:$0x3F9C];
	_ =	swait.ge [sflag:s4], $0x0  }
0x19: {  	s7 =	sld [smem:$0x3F9D]  }
0x1a: {  	s8 =	sadd.s32 $0xFFFFE003, lr  }
0x1b: {  	s9 =	sadd.s32 $0xFFFFFEF7, lr;
	s5 =	simm.s32 $0xFFFFFFFF;
	p2 =	slt.u32 s8, $0xFFFFF086  }
0x1c: {  	p1 =	slt.u32 s9, $0xF7A;
	s5 =	simm.s32 @!p2 $0x0  }
0x1d: {  	s5 =	simm.s32 @p1 $0x1;
	p0 =	seq.s32 s7, s2  }
0x1e: {  	s7 =	smul.u32 @!p0 $0xF7A, s2;
	p2 =	seq.s32 @!p0 s5, $0x0  }
0x1f: {  	s9 =	smul.u32 $0xF7A, s1;
	s8 =	simm.s32 @!p0 $0x1BF5;
	p2 =	por !p2, p0  }
0x20: {  	[sflag:s8] =	ssyncset.s32 @!p0 $0xFFFFF086;
	s6 =	sadd.s32 @!p0 s3, s7;
	s7 =	simm.s32 @!p0 $0x108  }
0x21: {  	s3 =	sadd.s32 s3, s9;
	s6 =	sadd.s32 @!p0 $0x88, s6;
	s7 =	simm.s32 @p2 $0x1082  }
0x22: {  	[simem:s7], [sflag:s8] =	dma.local @!p0 [hbm:s6], $0xF7A  }
0x23: {  	s9 =	sor.u32 $0xD0000000, s2;
	s6 =	simm.s32 $0x108;
	_ =	swait.ge @!p0 [sflag:s8], $0x0  }
0x24: {  	s3 =	sadd.s32 $0x88, s3;
	s6 =	simm.s32 @!p1 $0x1082;
	[sflag:s4] =	ssyncset.s32 $0xFFFFF086  }
0x25: {  	[simem:s6], [sflag:s4] =	dma.local [hbm:s3], $0xF7A  }
0x26: {  	[smem:$0x3F9D] =	sst s1;
	(tag) =	ssettag s2;
	_ =	strace s9  }
0x27: {  	s1 =	sld [smem:$0x3FAD]  }
0x28: {  	s2 =	sld [smem:$0x3FAE]  }
0x29: {  	s4 =	sld [smem:$0x3FB0]  }
0x2a: {  	p0 =	seq.s32 s5, $0x0;
	s5 =	sld [smem:$0x3FB1]  }
0x2b: {  	s6 =	sld [smem:$0x3FB2]  }
0x2c: {  	s7 =	sld [smem:$0x3FB3]  }
0x2d: {  	s3 =	simm.s32 $0x108;
	s8 =	sld [smem:$0x3FB4]  }
0x2e: {  	s3 =	simm.s32 @!p0 $0x1082;
	s9 =	sld [smem:$0x3FB5]  }
0x2f: {  	lr =	sadd.s32 s0, s3;
	s0 =	sld [smem:$0x3FAC]  }
0x30: {  	s3 =	sld [smem:$0x3FAF]  }
0x31: {  	[smem:$0x3FB8] =	sst s10  }
0x32: {  	s10 =	sld [smem:$0x3FB6];
	_ =	sdelay $0x3  }
0x33: {  	p0 =	seq.s32 s10, $0x1;
	s10 =	sld [smem:$0x3FB8];
	_ =	sdelay $0x3  }
0x34: {  	[smem:$0x3FB8] =	sst s10  }
0x35: {  	s10 =	sld [smem:$0x3FB7];
	_ =	sdelay $0x3  }
0x36: {  	p1 =	seq.s32 s10, $0x1;
	s10 =	sld [smem:$0x3FB8];
	_ =	sdelay $0x3  }
0x37: {  	[smem:$0x3FB8] =	sst s10  }
0x38: {  	s10 =	sld [smem:$0x3FB9]  }
0x39: {  	_ = 	snop;
	(pc) =	sbr.ind lr, $3  }
0x3a: {  	_ = 	snop  }
0x3b: {  	_ = 	snop  }
0x3c: {  	p2 =	seq.s32 s10, $0x1;
	s10 =	sld [smem:$0x3FB8]  }
0x3d: {  	_ =	shalt  }
0x3e: {  	_ =	shalt  }
0x3f: {  	_ =	shalt  }
0x40: {  	_ =	shalt  }
0x41: {  	_ =	shalt  }
0x42: {  	_ =	shalt  }
0x43: {  	_ =	shalt  }
0x44: {  	_ =	shalt  }
0x45: {  	_ =	shalt  }
0x46: {  	_ =	shalt  }
0x47: {  	_ =	shalt  }
0x48: {  	_ =	shalt  }
0x49: {  	_ =	shalt  }
0x4a: {  	_ =	shalt  }
0x4b: {  	_ =	shalt  }
0x4c: {  	_ =	shalt  }
0x4d: {  	_ =	shalt  }
0x4e: {  	_ =	shalt  }
0x4f: {  	_ =	shalt  }
0x50: {  	_ =	shalt  }
0x51: {  	_ =	shalt  }
0x52: {  	_ =	shalt  }
0x53: {  	_ =	shalt  }
0x54: {  	_ =	shalt  }
0x55: {  	_ =	shalt  }
0x56: {  	_ =	shalt  }
0x57: {  	_ =	shalt  }
0x58: {  	_ =	shalt  }
0x59: {  	_ =	shalt  }
0x5a: {  	_ =	shalt  }
0x5b: {  	_ =	shalt  }
0x5c: {  	_ =	shalt  }
0x5d: {  	_ =	shalt  }
0x5e: {  	_ =	shalt  }
0x5f: {  	_ =	shalt  }
0x60: {  	_ =	shalt  }
0x61: {  	_ =	shalt  }
0x62: {  	_ =	shalt  }
0x63: {  	_ =	shalt  }
0x64: {  	_ =	shalt  }
0x65: {  	_ =	shalt  }
0x66: {  	_ =	shalt  }
0x67: {  	_ =	shalt  }
0x68: {  	_ =	shalt  }
0x69: {  	_ =	shalt  }
0x6a: {  	_ =	shalt  }
0x6b: {  	_ =	shalt  }
0x6c: {  	_ =	shalt  }
0x6d: {  	_ =	shalt  }
0x6e: {  	_ =	shalt  }
0x6f: {  	_ =	shalt  }
0x70: {  	_ =	shalt  }
0x71: {  	_ =	shalt  }
0x72: {  	_ =	shalt  }
0x73: {  	_ =	shalt  }
0x74: {  	_ =	shalt  }
0x75: {  	_ =	shalt  }
0x76: {  	_ =	shalt  }
0x77: {  	_ =	shalt  }
0x78: {  	_ =	shalt  }
0x79: {  	_ =	shalt  }
0x7a: {  	_ =	shalt  }
0x7b: {  	_ =	shalt  }
0x7c: {  	_ =	shalt  }
0x7d: {  	_ =	shalt  }
0x7e: {  	_ =	shalt  }
0x7f: {  	_ =	shalt  }
0x80: {  	_ =	shalt  }
0x81: {  	_ =	shalt  }
0x82: {  	_ =	shalt  }
0x83: {  	_ =	shalt  }
0x84: {  	_ =	shalt  }
0x85: {  	_ =	shalt  }
0x86: {  	_ =	shalt  }
0x87: {  	_ =	shalt  }
.Lfunc_end0:
.L_simem_size_0:
called_computation_lowered:
.L_overlay_start_0:
0x88: {  	s2 =	sld [smem:$0x3FD9]  }
0x89: {  	s3 =	sld [smem:$0x3FFE];
	_ =	sdelay $0x1  }
0x8a: {  	s1 =	srdreg.scid  }
0x8b: {  	s0 =	sand.u32 $0x1, s1  }
0x8c: {  	s17 =	sshll.u32 s0, $0xA;
	s2 =	sadd.s32 s3, s2  }
0x8d: {  	s2 =	sadd.s32 s2, s17  }
0x8e: {  	[smem:$0x3FC4] =	sst s2  }
0x8f: {  	_ = 	snop  }
0x90: {  	s2 =	sld [smem:$0x3FD0];
	(tm) =	ssettm $0x1  }
0x91: {  	s18 =	sld [smem:$0x3FFB];
	_ =	sdelay $0x3  }
0x92: {  	_ =	strace s18  }
0x93: {  	s3 =	sld [smem:$0x3FFC];
	_ =	sdelay $0x3  }
0x94: {  	_ =	strace s3  }
0x95: {  	s3 =	sld [smem:$0x3FFD];
	_ =	sdelay $0x3  }
0x96: {  	_ =	strace s3  }
0x97: {  	_ =	strace $0x8FFFFFFF  }
0x98: {  	s19 =	sld [smem:$0x3FDB];
	_ =	sdelay $0x1  }
0x99: {  	s4 =	simm.s32 $_scs_section_size  }
0x9a: {  	s5 =	simm.s32 $_size__tile_overlayer_lowered;
	s6 =	simm.s32 $_tile_overlayer_lowered  }
0x9b: {  	s22 =	simm.s32 $0x1BFF;
	s21 =	sshll.u32 s6, $0x1;
	s3 =	sadd.s32 s4, s19  }
0x9c: {  	s7 =	simm.s32 $0x0;
	s20 =	sshll.u32 s5, $0x1;
	s5 =	sadd.s32 s21, s3  }
0x9d: {  	[timem:s7], [sflag:s22] =	dma.local [hbm:s5], s20  }
0x9e: {  	_ =	swait.ge [sflag:s22], s20  }
0x9f: {  	s4 =	ssub.s32 $0x0, s20;
	[sflag:s22] =	ssyncset.done $0x0  }
0xa0: {  	[sflag:s22] =	ssyncadd.s32 s4;
	_ =	sdelay $0x1  }
0xa1: {  	s23 =	simm.s32 $0x1B8B  }
0xa2: {  	_ =	swait.ge [sflag:s23], $0x1  }
0xa3: {  	[sflag:s23] =	ssyncset.done $0x0  }
0xa4: {  	s25 =	simm.s32 $0x1B8E;
	s24 =	sld [smem:$0x3FFE];
	[sflag:s23] =	ssyncadd.s32 $0xFFFFFFFF  }
0xa5: {  	s26 =	simm.s32 $execute0_lowered;
	[smem:$0x3FD2] =	sst s25  }
0xa6: {  	s5 =	sshll.u32 s26, $0x1;
	_ =	strace $0x80000046;
	[dreg:$0x1] =	wrdreg $0xFFFFFFFF  }
0xa7: {  	s28 =	simm.s32 $_size_execute0_lowered;
	s3 =	sadd.s32 s3, s5;
	[dreg:$0x0] =	wrdreg $0x0  }
0xa8: {  	s5 =	sshll.u32 s28, $0x1;
	[dreg:$0x2] =	wrdreg s3  }
0xa9: {  	[dreg:$0x3] =	wrdreg s5  }
0xaa: {  	[dreg:$0x4] =	wrdreg $0xC0  }
0xab: {  	_ =	task [dreg:s7], $0x5FFFF  }
0xac: {  	[dreg:$0x1] =	wrdreg $0xFFFFFFFF  }
0xad: {  	[dreg:$0x0] =	wrdreg $0x60  }
0xae: {  	[dreg:$0x2] =	wrdreg s24  }
0xaf: {  	[dreg:$0x3] =	wrdreg s2  }
0xb0: {  	[dreg:$0x4] =	wrdreg $0x57D00  }
0xb1: {  	[dreg:$0x5] =	wrdreg $0x7FD00  }
0xb2: {  	[dreg:$0x6] =	wrdreg $0x9  }
0xb3: {  	_ =	task.clear_ibuf [dreg:s7], $0x7FFFF;
	_ =	strace $0x90000046  }
0xb4: {  	s29 =	simm.s32 $0x9;
	_ =	strace $0x80000048  }
0xb5: {  	_ =	swait.ge [sflag:s29], $0x1  }
0xb6: {  	[sflag:s29] =	ssyncadd.s32 $0xFFFFFFFF  }
0xb7: {  	_ =	strace $0x90000048  }
0xb8: {  	_ =	sfence  }
0xb9: {  	s30 =	sld [smem:$0x0];
	_ =	sdelay $0x2  }
0xba: {  	s31 =	sshll.u32 s1, $0xD;
	s1 =	sshrl.u32 s1, $0x2  }
0xbb: {  	s3 =	sand.u32 $0x4000, s31;
	s1 =	sadd.s32 s1, s30  }
0xbc: {  	s0 =	sor.u32 s3, s0;
	s1 =	sshll.u32 s1, $0x11  }
0xbd: {  	s0 =	sor.u32 s1, s0  }
0xbe: {  	s0 =	sadd.s32 $0x8F2B, s0  }
0xbf: {  	[sflag:s0] =	ssyncadd.remote.s32 $0x1  }
0xc0: {  	_ =	sfence.sel $0xFFFF  }
0xc1: {  	[dreg:$0x0] =	wrdreg $0xFFFFFFFF;
	(pc) =	sbr.abs _section_cstart, $3  }
0xc2: {  	[dreg:$0x1] =	wrdreg $0xFFFFFFFF  }
0xc3: {  	_ =	task.clear_ibuf [dreg:s7], $0x2FFFF;
	_ =	strace $0x9FFFFFFF  }
0xc4: {  	(tm) =	ssettm $0x7FFFFFFF  }
0xc5: {  	_ =	shalt  }
tec
execute0_lowered:
.L_overlay_start_1:
0x0: {  	(tag) =	ssettag $0x1  }
0x1: {  	s6 =	rddreg [dreg:$0x0]  }
0x2: {  	s10 =	rddreg [dreg:$0x1]  }
0x3: {  	s2 =	rddreg [dreg:$0x2]  }
0x4: {  	s0 =	srdreg.scid;
	s3 =	rddreg [dreg:$0x3]  }
0x5: {  	s4 =	simm.s32 $0x0;
	s17 =	simm.s32 $0x1;
	s18 =	simm.s32 $0x7D  }
0x6: {  	s19 =	simm.s32 $0x2;
	s7 =	sand.u32 $0x1, s0;
	s0 =	stileid.u32  }
0x7: {  	s21 =	simm.s32 $0x3;
	s22 =	simm.s32 $0x0;
	s11 =	smul.u32 $0x2800, s0  }
0x8: {  	[smem:$0x7FF] =	sst s4;
	s1 =	sshll.u32 s7, $0x4;
	s8 =	smul.u32 $0x28000, s7  }
0x9: {  	s7 =	ssub.s32 $0x2, s7;
	s20 =	sshll.u32 s0, $0x6;
	s1 =	sor.u32 s0, s1  }
0xa: {  	s31 =	sshrl.u32 s7, $0x1;
	s5 =	smul.u32 $0x2800, s1;
	s1 =	rddreg [dreg:$0x4]  }
0xb: {  	_ =	strace $0x80000047;
	s8 =	sadd.s32 s11, s8;
	s12 =	sshrl.u32 s11, $0x3  }
0xc: {  	s14 =	ssub.s32 s7, s31;
	s15 =	sadd.s32 s11, s2;
	s16 =	sadd.s32 s11, s3  }
0xd: {  	s13 =	sshrl.u32 s8, $0x3;
	s29 =	sadd.s32 s12, s6;
	s12 =	smax.u32 s14, $0x1  }
0xe: {  	s14 =	simm.s32 $0x5000;
	s15 =	sshrl.u32 s15, $0x3;
	s16 =	sshrl.u32 s16, $0x3  }
0xf: {  	s5 =	sshrl.u32 s5, $0x3;
	s30 =	sadd.s32 s13, s6;
	s8 =	sadd.s32 $0x15E00, s29  }
0x10: {  	s10 =	sadd.s32 s10, s13;
	s13 =	simm.s32 $0x2800;
	s9 =	sadd.s32 s5, s6  }
0x11: {  	s5 =	sadd.s32 $0x1AE00, s6;
	s11 =	sadd.s32 $0x1B000, s30;
	s6 =	sadd.s32 $0x1E00, s9  }
0x12: {  	s7 =	sadd.s32 $0xBE00, s9;
	s9 =	sor.u32 $0x1C01, s20;
	s20 =	sor.u32 $0x1C03, s20  }
.LBB2_1:
0x13: {  	[tilespmem:s4], [sflag:$0x1] =	stream.linear.gather [hbm4b:s6+s4], $0x2800, $0x38;
	[tilespmem:$0xA7D0] =	vst v63  }
0x14: {  	_ = 	snop  }
0x15: {  	[tilespmem:s13], [sflag:$0x1] =	stream.linear.gather [hbm4b:s7+s4], $0x2800, $0x38;
	[tilespmem:$0xA7D0] =	vst v63  }
0x16: {  	_ = 	snop  }
0x17: {  	[tilespmem:s14], [sflag:$0x1] =	stream.linear.gather [hbm4b:s5+s4], $0x7D0, $0x38;
	[tilespmem:$0xA7D0] =	vst v63  }
0x18: {  	[spmem:s15], [sflag:s9] =	dma.local [hbm:s8], $0x500  }
0x19: {  	[spmem:s16], [sflag:s9] =	dma.local [hbm:s8], $0x500  }
0x1a: {  	_ =	swait.ge [sflag:s17], $0x2800  }
0x1b: {  	[sflag:s17] =	ssyncset.done $0x0  }
0x1c: {  	[sflag:s17] =	ssyncadd.s32 $0xFFFFD800  }
0x1d: {  	_ =	swait.ge [sflag:s17], $0x2800  }
0x1e: {  	[sflag:s17] =	ssyncset.done $0x0  }
0x1f: {  	[sflag:s17] =	ssyncadd.s32 $0xFFFFD800  }
0x20: {  	_ =	swait.ge [sflag:s17], $0x7D0  }
0x21: {  	[sflag:s17] =	ssyncset.done $0x0  }
0x22: {  	[sflag:s17] =	ssyncadd.s32 $0xFFFFF830  }
0x23: {  	_ =	swait.ge [sflag:s17], $0x500  }
0x24: {  	[sflag:s17] =	ssyncset.done $0x0  }
0x25: {  	[sflag:s17] =	ssyncadd.s32 $0xFFFFFB00  }
0x26: {  	_ =	swait.ge [sflag:s17], $0x500  }
0x27: {  	[sflag:s17] =	ssyncset.done $0x0  }
0x28: {  	[sflag:s17] =	ssyncadd.s32 $0xFFFFFB00  }
0x29: {  	s23 =	simm.s32 $0x0;
	[bflag:$0x0] =	sbarrier.arrive $0xFFFF  }
0x2a: {  	[spmem:s2] =	stream.indirect.scatter.add.f32 [tilespmem:s14], [sflag:$0x2], $0x10, s23, s18, $0xb8;
	[tilespmem:$0xA7D0] =	vst v63  }
0x2b: {  	s24 =	simm.s32 $0x2800  }
0x2c: {  	[spmem:s3] =	stream.indirect.scatter.add.f32 [tilespmem:s14], [sflag:$0x2], $0x10, s24, s18, $0xb8;
	[tilespmem:$0xA7D0] =	vst v63  }
0x2d: {  	s25 =	simm.s32 $0x80  }
0x2e: {  	[spmem:s2] =	stream.indirect.scatter.add.f32 [tilespmem:s14], [sflag:$0x2], $0x10, s25, s18, $0xb8;
	[tilespmem:$0xA7D0] =	vst v63  }
0x2f: {  	s26 =	simm.s32 $0x2880  }
0x30: {  	[spmem:s3] =	stream.indirect.scatter.add.f32 [tilespmem:s14], [sflag:$0x2], $0x10, s26, s18, $0xb8;
	[tilespmem:$0xA7D0] =	vst v63  }
0x31: {  	s28 =	simm.s32 $0x100  }
0x32: {  	[spmem:s2] =	stream.indirect.scatter.add.f32 [tilespmem:s14], [sflag:$0x2], $0x10, s28, s18, $0xb8;
	[tilespmem:$0xA7D0] =	vst v63  }
0x33: {  	s29 =	simm.s32 $0x2900  }
0x34: {  	[spmem:s3] =	stream.indirect.scatter.add.f32 [tilespmem:s14], [sflag:$0x2], $0x10, s29, s18, $0xb8;
	[tilespmem:$0xA7D0] =	vst v63  }
0x35: {  	s30 =	simm.s32 $0x180  }
0x36: {  	[spmem:s2] =	stream.indirect.scatter.add.f32 [tilespmem:s14], [sflag:$0x2], $0x10, s30, s18, $0xb8;
	[tilespmem:$0xA7D0] =	vst v63  }
0x37: {  	s31 =	simm.s32 $0x2980  }
0x38: {  	[spmem:s3] =	stream.indirect.scatter.add.f32 [tilespmem:s14], [sflag:$0x2], $0x10, s31, s18, $0xb8;
	[tilespmem:$0xA7D0] =	vst v63  }
0x39: {  	_ =	swait.ge [sflag:s19], $0x7D0  }
0x3a: {  	[sflag:s19] =	ssyncset.done $0x0  }
0x3b: {  	[sflag:s19] =	ssyncadd.s32 $0xFFFFF830  }
0x3c: {  	_ =	swait.ge [sflag:s19], $0x7D0  }
0x3d: {  	[sflag:s19] =	ssyncset.done $0x0  }
0x3e: {  	[sflag:s19] =	ssyncadd.s32 $0xFFFFF830  }
0x3f: {  	_ =	swait.ge [sflag:s19], $0x7D0  }
0x40: {  	[sflag:s19] =	ssyncset.done $0x0  }
0x41: {  	[sflag:s19] =	ssyncadd.s32 $0xFFFFF830  }
0x42: {  	_ =	swait.ge [sflag:s19], $0x7D0  }
0x43: {  	[sflag:s19] =	ssyncset.done $0x0  }
0x44: {  	[sflag:s19] =	ssyncadd.s32 $0xFFFFF830  }
0x45: {  	_ =	swait.ge [sflag:s19], $0x7D0  }
0x46: {  	[sflag:s19] =	ssyncset.done $0x0  }
0x47: {  	[sflag:s19] =	ssyncadd.s32 $0xFFFFF830  }
0x48: {  	_ =	swait.ge [sflag:s19], $0x7D0  }
0x49: {  	[sflag:s19] =	ssyncset.done $0x0  }
0x4a: {  	[sflag:s19] =	ssyncadd.s32 $0xFFFFF830  }
0x4b: {  	_ =	swait.ge [sflag:s19], $0x7D0  }
0x4c: {  	[sflag:s19] =	ssyncset.done $0x0  }
0x4d: {  	[sflag:s19] =	ssyncadd.s32 $0xFFFFF830  }
0x4e: {  	_ =	swait.ge [sflag:s19], $0x7D0  }
0x4f: {  	s23 =	simm.s32 $0x800;
	s25 =	simm.s32 $0x1000;
	[sflag:s19] =	ssyncset.done $0x0  }
.LBB2_2:
0x50: {  	s26 =	sshra.s32 s23, $0x2  }
0x51: {  	[sflag:s19] =	ssyncadd.s32 $0xFFFFF830;
	s23 =	smov.u32 s25;
	s24 =	sadd.s32 $0x800, s25  }
0x52: {  	[spmem:s2] =	stream.indirect.scatter.add.f32 [tilespmem:s14], [sflag:$0x2], $0x10, s26, s18, $0xb8;
	[tilespmem:$0xA7D0] =	vst v63  }
0x53: {  	p0 =	sne.s32 s25, $0x9800;
	s25 =	sadd.s32 $0x2800, s26  }
0x54: {  	[spmem:s3] =	stream.indirect.scatter.add.f32 [tilespmem:s14], [sflag:$0x2], $0x10, s25, s18, $0xb8;
	[tilespmem:$0xA7D0] =	vst v63  }
0x55: {  	s25 =	sadd.s32 $0x80, s26  }
0x56: {  	[spmem:s2] =	stream.indirect.scatter.add.f32 [tilespmem:s14], [sflag:$0x2], $0x10, s25, s18, $0xb8;
	[tilespmem:$0xA7D0] =	vst v63  }
0x57: {  	s25 =	sadd.s32 $0x2880, s26  }
0x58: {  	[spmem:s3] =	stream.indirect.scatter.add.f32 [tilespmem:s14], [sflag:$0x2], $0x10, s25, s18, $0xb8;
	[tilespmem:$0xA7D0] =	vst v63  }
0x59: {  	s25 =	sadd.s32 $0x100, s26  }
0x5a: {  	[spmem:s2] =	stream.indirect.scatter.add.f32 [tilespmem:s14], [sflag:$0x2], $0x10, s25, s18, $0xb8;
	[tilespmem:$0xA7D0] =	vst v63  }
0x5b: {  	s25 =	sadd.s32 $0x2900, s26  }
0x5c: {  	[spmem:s3] =	stream.indirect.scatter.add.f32 [tilespmem:s14], [sflag:$0x2], $0x10, s25, s18, $0xb8;
	[tilespmem:$0xA7D0] =	vst v63  }
0x5d: {  	s25 =	sadd.s32 $0x180, s26  }
0x5e: {  	[spmem:s2] =	stream.indirect.scatter.add.f32 [tilespmem:s14], [sflag:$0x2], $0x10, s25, s18, $0xb8;
	[tilespmem:$0xA7D0] =	vst v63  }
0x5f: {  	s25 =	sadd.s32 $0x2980, s26  }
0x60: {  	[spmem:s3] =	stream.indirect.scatter.add.f32 [tilespmem:s14], [sflag:$0x2], $0x10, s25, s18, $0xb8;
	[tilespmem:$0xA7D0] =	vst v63  }
0x61: {  	_ =	swait.ge [sflag:s19], $0x7D0  }
0x62: {  	[sflag:s19] =	ssyncset.done $0x0  }
0x63: {  	[sflag:s19] =	ssyncadd.s32 $0xFFFFF830  }
0x64: {  	_ =	swait.ge [sflag:s19], $0x7D0  }
0x65: {  	[sflag:s19] =	ssyncset.done $0x0  }
0x66: {  	[sflag:s19] =	ssyncadd.s32 $0xFFFFF830  }
0x67: {  	_ =	swait.ge [sflag:s19], $0x7D0  }
0x68: {  	[sflag:s19] =	ssyncset.done $0x0  }
0x69: {  	[sflag:s19] =	ssyncadd.s32 $0xFFFFF830  }
0x6a: {  	_ =	swait.ge [sflag:s19], $0x7D0  }
0x6b: {  	[sflag:s19] =	ssyncset.done $0x0  }
0x6c: {  	[sflag:s19] =	ssyncadd.s32 $0xFFFFF830  }
0x6d: {  	_ =	swait.ge [sflag:s19], $0x7D0  }
0x6e: {  	[sflag:s19] =	ssyncset.done $0x0  }
0x6f: {  	[sflag:s19] =	ssyncadd.s32 $0xFFFFF830  }
0x70: {  	_ =	swait.ge [sflag:s19], $0x7D0  }
0x71: {  	[sflag:s19] =	ssyncset.done $0x0  }
0x72: {  	[sflag:s19] =	ssyncadd.s32 $0xFFFFF830  }
.Ltmp0:
0x73: {  	_ =	swait.ge [sflag:s19], $0x7D0;
	(pc) =	sbr.rel @p0 .LBB2_2-.Ltmp0, $4  }
0x74: {  	[sflag:s19] =	ssyncset.done $0x0  }
0x75: {  	[sflag:s19] =	ssyncadd.s32 $0xFFFFF830  }
0x76: {  	_ =	swait.ge [sflag:s19], $0x7D0  }
0x77: {  	s25 =	smov.u32 s24;
	[sflag:s19] =	ssyncset.done $0x0  }
0x78: {  	s23 =	sshra.s32 s23, $0x2;
	[sflag:s19] =	ssyncadd.s32 $0xFFFFF830  }
0x79: {  	[spmem:s2] =	stream.indirect.scatter.add.f32 [tilespmem:s14], [sflag:$0x2], $0x10, s23, s18, $0xb8;
	[tilespmem:$0xA7D0] =	vst v63  }
0x7a: {  	s24 =	sadd.s32 $0x2800, s23  }
0x7b: {  	[spmem:s3] =	stream.indirect.scatter.add.f32 [tilespmem:s14], [sflag:$0x2], $0x10, s24, s18, $0xb8;
	[tilespmem:$0xA7D0] =	vst v63  }
0x7c: {  	s26 =	sadd.s32 $0x80, s23  }
0x7d: {  	[spmem:s2] =	stream.indirect.scatter.add.f32 [tilespmem:s14], [sflag:$0x2], $0x10, s26, s18, $0xb8;
	[tilespmem:$0xA7D0] =	vst v63  }
0x7e: {  	s28 =	sadd.s32 $0x2880, s23  }
0x7f: {  	[spmem:s3] =	stream.indirect.scatter.add.f32 [tilespmem:s14], [sflag:$0x2], $0x10, s28, s18, $0xb8;
	[tilespmem:$0xA7D0] =	vst v63  }
0x80: {  	s29 =	sadd.s32 $0x100, s23  }
0x81: {  	[spmem:s2] =	stream.indirect.scatter.add.f32 [tilespmem:s14], [sflag:$0x2], $0x10, s29, s18, $0xb8;
	[tilespmem:$0xA7D0] =	vst v63  }
0x82: {  	s30 =	sadd.s32 $0x2900, s23  }
0x83: {  	[spmem:s3] =	stream.indirect.scatter.add.f32 [tilespmem:s14], [sflag:$0x2], $0x10, s30, s18, $0xb8;
	[tilespmem:$0xA7D0] =	vst v63  }
0x84: {  	s31 =	sadd.s32 $0x180, s23  }
0x85: {  	[spmem:s2] =	stream.indirect.scatter.add.f32 [tilespmem:s14], [sflag:$0x2], $0x10, s31, s18, $0xb8;
	[tilespmem:$0xA7D0] =	vst v63  }
0x86: {  	s23 =	sadd.s32 $0x2980, s23  }
0x87: {  	[spmem:s3] =	stream.indirect.scatter.add.f32 [tilespmem:s14], [sflag:$0x2], $0x10, s23, s18, $0xb8;
	[tilespmem:$0xA7D0] =	vst v63  }
0x88: {  	_ =	swait.ge [sflag:s19], $0x7D0  }
0x89: {  	[sflag:s19] =	ssyncset.done $0x0  }
0x8a: {  	[sflag:s19] =	ssyncadd.s32 $0xFFFFF830  }
0x8b: {  	_ =	swait.ge [sflag:s19], $0x7D0  }
0x8c: {  	[sflag:s19] =	ssyncset.done $0x0  }
0x8d: {  	[sflag:s19] =	ssyncadd.s32 $0xFFFFF830  }
0x8e: {  	_ =	swait.ge [sflag:s19], $0x7D0  }
0x8f: {  	[sflag:s19] =	ssyncset.done $0x0  }
0x90: {  	[sflag:s19] =	ssyncadd.s32 $0xFFFFF830  }
0x91: {  	_ =	swait.ge [sflag:s19], $0x7D0  }
0x92: {  	[sflag:s19] =	ssyncset.done $0x0  }
0x93: {  	[sflag:s19] =	ssyncadd.s32 $0xFFFFF830  }
0x94: {  	_ =	swait.ge [sflag:s19], $0x7D0  }
0x95: {  	[sflag:s19] =	ssyncset.done $0x0  }
0x96: {  	[sflag:s19] =	ssyncadd.s32 $0xFFFFF830  }
0x97: {  	_ =	swait.ge [sflag:s19], $0x7D0  }
0x98: {  	[sflag:s19] =	ssyncset.done $0x0  }
0x99: {  	[sflag:s19] =	ssyncadd.s32 $0xFFFFF830  }
0x9a: {  	_ =	swait.ge [sflag:s19], $0x7D0  }
0x9b: {  	[sflag:s19] =	ssyncset.done $0x0  }
0x9c: {  	[sflag:s19] =	ssyncadd.s32 $0xFFFFF830  }
0x9d: {  	_ =	swait.ge [sflag:s19], $0x7D0  }
0x9e: {  	[sflag:s19] =	ssyncset.done $0x0  }
0x9f: {  	[sflag:s19] =	ssyncadd.s32 $0xFFFFF830  }
0xa0: {  	[bflag:$0x0] =	sbarrier.arrive $0xFFFF  }
0xa1: {  	[hbm:s10], [sflag:s20] =	dma.local [spmem:s15], $0x500  }
0xa2: {  	s22 =	sadd.s32 $0x1, s22;
	_ =	swait.ge [sflag:s21], $0x500  }
0xa3: {  	p0 =	sne.s32 s22, s12;
	[sflag:s21] =	ssyncset.done $0x0  }
.Ltmp1:
0xa4: {  	[sflag:s21] =	ssyncadd.s32 $0xFFFFFB00;
	(pc) =	sbr.rel @p0 .LBB2_1-.Ltmp1, $4  }
0xa5: {  	[hbm:s11], [sflag:s20] =	dma.local [spmem:s16], $0x500  }
0xa6: {  	_ =	swait.ge [sflag:s21], $0x500  }
0xa7: {  	[sflag:s21] =	ssyncset.done $0x0  }
0xa8: {  	[sflag:s21] =	ssyncadd.s32 $0xFFFFFB00  }
0xa9: {  	_ =	sfence.sel $0x180000  }
0xaa: {  	[bflag:$0x0] =	sbarrier.arrive $0xFFFF  }
0xab: {  	p0 =	sne.s32 s0, $0x0;
	_ =	strace $0x90000047  }
0xac: {  	s0 =	sadd.s32 @!p0 $0x100000, s1;
	[bflag:$0x2] =	sbarrier.arrive $0xFFFF  }
0xad: {  	[sflag:s0] =	ssyncadd.tile.s32 @!p0 $0x1;
	_ =	shalt  }
.Lfunc_end2:
_tile_overlayer_lowered:
.L_overlay_start_2:
0xae: {  	(tag) =	ssettag $0x2  }
0xaf: {  	s0 =	rddreg [dreg:$0x0];
	s2 =	stileid.u32  }
0xb0: {  	s1 =	rddreg [dreg:$0x1];
	p0 =	sne.s32 s2, $0x0  }
0xb1: {  	s3 =	rddreg [dreg:$0x2];
	[bflag:$0x3] =	sbarrier.arrive $0xFFFF;
	s2 =	simm.s32 @!p0 $0x1C03  }
0xb2: {  	[timem:s3], [sflag:s2] =	dma.local @!p0 [hbm:s0], s1  }
0xb3: {  	s0 =	simm.s32 @!p0 $0x3  }
0xb4: {  	_ =	swait.ge @!p0 [sflag:s0], s1  }
0xb5: {  	s1 =	ssub.s32 @!p0 $0x0, s1;
	[sflag:s0] =	ssyncset.done @!p0 $0x0  }
0xb6: {  	[sflag:s0] =	ssyncadd.s32 @!p0 s1  }
0xb7: {  	[bflag:$0x3] =	sbarrier.arrive $0xFFFF  }
0xb8: {  	_ =	shalt  }

// kernel: kernel.9.cloned.1.call-start
scs
__scs_entry_jumppad:
0x0: {  	(pc) =	sbr.rel $0x88, $3  }
0x1: {  	(tag) =	ssettag $0x0;
	lr =	simm.s32 $0x1  }
0x2: {  	[smem:$0x3F9D] =	sst lr;
	_ =	strace $0xD0000000  }
0x3: {  	_ = 	snop  }
0x4: {  	_ = 	snop  }
0x5: {  	_ = 	snop  }
0x6: {  	_ = 	snop  }
0x7: {  	_ = 	snop  }
__scs_overlays_trampoline_lowered:
0x8: {  	[smem:$0x3FAC] =	sst s0  }
0x9: {  	[smem:$0x3FAD] =	sst s1  }
0xa: {  	[smem:$0x3FAE] =	sst s2  }
0xb: {  	[smem:$0x3FAF] =	sst s3  }
0xc: {  	[smem:$0x3FB0] =	sst s4  }
0xd: {  	[smem:$0x3FB1] =	sst s5  }
0xe: {  	[smem:$0x3FB2] =	sst s6  }
0xf: {  	[smem:$0x3FB3] =	sst s7  }
0x10: {  	[smem:$0x3FB4] =	sst s8  }
0x11: {  	[smem:$0x3FB5] =	sst s9;
	s0 =	simm.s32 @!p0 $0x0  }
0x12: {  	s1 =	sld [smem:$0x3F9B];
	s0 =	simm.s32 @p0 $0x1  }
0x13: {  	[smem:$0x3FB6] =	sst s0;
	s0 =	simm.s32 @!p1 $0x0  }
0x14: {  	s2 =	sld [smem:$0x3F9A];
	s0 =	simm.s32 @p1 $0x1  }
0x15: {  	[smem:$0x3FB7] =	sst s0;
	s0 =	simm.s32 @!p2 $0x0  }
0x16: {  	s3 =	sld [smem:$0x3FDB];
	s0 =	simm.s32 @p2 $0x1  }
0x17: {  	s4 =	simm.s32 $0x1BF5;
	[smem:$0x3FB9] =	sst s0  }
0x18: {  	s0 =	sld [smem:$0x3F9C];
	_ =	swait.ge [sflag:s4], $0x0  }
0x19: {  	s7 =	sld [smem:$0x3F9D]  }
0x1a: {  	s8 =	sadd.s32 $0xFFFFE003, lr  }
0x1b: {  	s9 =	sadd.s32 $0xFFFFFEF7, lr;
	s5 =	simm.s32 $0xFFFFFFFF;
	p2 =	slt.u32 s8, $0xFFFFF086  }
0x1c: {  	p1 =	slt.u32 s9, $0xF7A;
	s5 =	simm.s32 @!p2 $0x0  }
0x1d: {  	s5 =	simm.s32 @p1 $0x1;
	p0 =	seq.s32 s7, s2  }
0x1e: {  	s7 =	smul.u32 @!p0 $0xF7A, s2;
	p2 =	seq.s32 @!p0 s5, $0x0  }
0x1f: {  	s9 =	smul.u32 $0xF7A, s1;
	s8 =	simm.s32 @!p0 $0x1BF5;
	p2 =	por !p2, p0  }
0x20: {  	[sflag:s8] =	ssyncset.s32 @!p0 $0xFFFFF086;
	s6 =	sadd.s32 @!p0 s3, s7;
	s7 =	simm.s32 @!p0 $0x108  }
0x21: {  	s3 =	sadd.s32 s3, s9;
	s6 =	sadd.s32 @!p0 $0x88, s6;
	s7 =	simm.s32 @p2 $0x1082  }
0x22: {  	[simem:s7], [sflag:s8] =	dma.local @!p0 [hbm:s6], $0xF7A  }
0x23: {  	s9 =	sor.u32 $0xD0000000, s2;
	s6 =	simm.s32 $0x108;
	_ =	swait.ge @!p0 [sflag:s8], $0x0  }
0x24: {  	s3 =	sadd.s32 $0x88, s3;
	s6 =	simm.s32 @!p1 $0x1082;
	[sflag:s4] =	ssyncset.s32 $0xFFFFF086  }
0x25: {  	[simem:s6], [sflag:s4] =	dma.local [hbm:s3], $0xF7A  }
0x26: {  	[smem:$0x3F9D] =	sst s1;
	(tag) =	ssettag s2;
	_ =	strace s9  }
0x27: {  	s1 =	sld [smem:$0x3FAD]  }
0x28: {  	s2 =	sld [smem:$0x3FAE]  }
0x29: {  	s4 =	sld [smem:$0x3FB0]  }
0x2a: {  	p0 =	seq.s32 s5, $0x0;
	s5 =	sld [smem:$0x3FB1]  }
0x2b: {  	s6 =	sld [smem:$0x3FB2]  }
0x2c: {  	s7 =	sld [smem:$0x3FB3]  }
0x2d: {  	s3 =	simm.s32 $0x108;
	s8 =	sld [smem:$0x3FB4]  }
0x2e: {  	s3 =	simm.s32 @!p0 $0x1082;
	s9 =	sld [smem:$0x3FB5]  }
0x2f: {  	lr =	sadd.s32 s0, s3;
	s0 =	sld [smem:$0x3FAC]  }
0x30: {  	s3 =	sld [smem:$0x3FAF]  }
0x31: {  	[smem:$0x3FB8] =	sst s10  }
0x32: {  	s10 =	sld [smem:$0x3FB6];
	_ =	sdelay $0x3  }
0x33: {  	p0 =	seq.s32 s10, $0x1;
	s10 =	sld [smem:$0x3FB8];
	_ =	sdelay $0x3  }
0x34: {  	[smem:$0x3FB8] =	sst s10  }
0x35: {  	s10 =	sld [smem:$0x3FB7];
	_ =	sdelay $0x3  }
0x36: {  	p1 =	seq.s32 s10, $0x1;
	s10 =	sld [smem:$0x3FB8];
	_ =	sdelay $0x3  }
0x37: {  	[smem:$0x3FB8] =	sst s10  }
0x38: {  	s10 =	sld [smem:$0x3FB9]  }
0x39: {  	_ = 	snop;
	(pc) =	sbr.ind lr, $3  }
0x3a: {  	_ = 	snop  }
0x3b: {  	_ = 	snop  }
0x3c: {  	p2 =	seq.s32 s10, $0x1;
	s10 =	sld [smem:$0x3FB8]  }
0x3d: {  	_ =	shalt  }
0x3e: {  	_ =	shalt  }
0x3f: {  	_ =	shalt  }
0x40: {  	_ =	shalt  }
0x41: {  	_ =	shalt  }
0x42: {  	_ =	shalt  }
0x43: {  	_ =	shalt  }
0x44: {  	_ =	shalt  }
0x45: {  	_ =	shalt  }
0x46: {  	_ =	shalt  }
0x47: {  	_ =	shalt  }
0x48: {  	_ =	shalt  }
0x49: {  	_ =	shalt  }
0x4a: {  	_ =	shalt  }
0x4b: {  	_ =	shalt  }
0x4c: {  	_ =	shalt  }
0x4d: {  	_ =	shalt  }
0x4e: {  	_ =	shalt  }
0x4f: {  	_ =	shalt  }
0x50: {  	_ =	shalt  }
0x51: {  	_ =	shalt  }
0x52: {  	_ =	shalt  }
0x53: {  	_ =	shalt  }
0x54: {  	_ =	shalt  }
0x55: {  	_ =	shalt  }
0x56: {  	_ =	shalt  }
0x57: {  	_ =	shalt  }
0x58: {  	_ =	shalt  }
0x59: {  	_ =	shalt  }
0x5a: {  	_ =	shalt  }
0x5b: {  	_ =	shalt  }
0x5c: {  	_ =	shalt  }
0x5d: {  	_ =	shalt  }
0x5e: {  	_ =	shalt  }
0x5f: {  	_ =	shalt  }
0x60: {  	_ =	shalt  }
0x61: {  	_ =	shalt  }
0x62: {  	_ =	shalt  }
0x63: {  	_ =	shalt  }
0x64: {  	_ =	shalt  }
0x65: {  	_ =	shalt  }
0x66: {  	_ =	shalt  }
0x67: {  	_ =	shalt  }
0x68: {  	_ =	shalt  }
0x69: {  	_ =	shalt  }
0x6a: {  	_ =	shalt  }
0x6b: {  	_ =	shalt  }
0x6c: {  	_ =	shalt  }
0x6d: {  	_ =	shalt  }
0x6e: {  	_ =	shalt  }
0x6f: {  	_ =	shalt  }
0x70: {  	_ =	shalt  }
0x71: {  	_ =	shalt  }
0x72: {  	_ =	shalt  }
0x73: {  	_ =	shalt  }
0x74: {  	_ =	shalt  }
0x75: {  	_ =	shalt  }
0x76: {  	_ =	shalt  }
0x77: {  	_ =	shalt  }
0x78: {  	_ =	shalt  }
0x79: {  	_ =	shalt  }
0x7a: {  	_ =	shalt  }
0x7b: {  	_ =	shalt  }
0x7c: {  	_ =	shalt  }
0x7d: {  	_ =	shalt  }
0x7e: {  	_ =	shalt  }
0x7f: {  	_ =	shalt  }
0x80: {  	_ =	shalt  }
0x81: {  	_ =	shalt  }
0x82: {  	_ =	shalt  }
0x83: {  	_ =	shalt  }
0x84: {  	_ =	shalt  }
0x85: {  	_ =	shalt  }
0x86: {  	_ =	shalt  }
0x87: {  	_ =	shalt  }
.Lfunc_end0:
.L_simem_size_0:
called_computation.1_lowered:
.L_overlay_start_0:
0x88: {  	s2 =	sld [smem:$0x3FD9]  }
0x89: {  	s3 =	sld [smem:$0x3FFE];
	_ =	sdelay $0x1  }
0x8a: {  	s1 =	srdreg.scid  }
0x8b: {  	s0 =	sand.u32 $0x1, s1  }
0x8c: {  	s17 =	sshll.u32 s0, $0xA;
	s2 =	sadd.s32 s3, s2  }
0x8d: {  	s2 =	sadd.s32 s2, s17  }
0x8e: {  	[smem:$0x3FC4] =	sst s2  }
0x8f: {  	_ = 	snop  }
0x90: {  	s2 =	sld [smem:$0x3FD0];
	(tm) =	ssettm $0x1  }
0x91: {  	s18 =	sld [smem:$0x3FFB];
	_ =	sdelay $0x3  }
0x92: {  	_ =	strace s18  }
0x93: {  	s3 =	sld [smem:$0x3FFC];
	_ =	sdelay $0x3  }
0x94: {  	_ =	strace s3  }
0x95: {  	s3 =	sld [smem:$0x3FFD];
	_ =	sdelay $0x3  }
0x96: {  	_ =	strace s3  }
0x97: {  	_ =	strace $0x8FFFFFFF  }
0x98: {  	s19 =	sld [smem:$0x3FDB];
	_ =	sdelay $0x1  }
0x99: {  	s4 =	simm.s32 $_scs_section_size  }
0x9a: {  	s5 =	simm.s32 $_size__tile_overlayer_lowered;
	s6 =	simm.s32 $_tile_overlayer_lowered  }
0x9b: {  	s22 =	simm.s32 $0x1BFF;
	s21 =	sshll.u32 s6, $0x1;
	s3 =	sadd.s32 s4, s19  }
0x9c: {  	s7 =	simm.s32 $0x0;
	s20 =	sshll.u32 s5, $0x1;
	s5 =	sadd.s32 s21, s3  }
0x9d: {  	[timem:s7], [sflag:s22] =	dma.local [hbm:s5], s20  }
0x9e: {  	_ =	swait.ge [sflag:s22], s20  }
0x9f: {  	s4 =	ssub.s32 $0x0, s20;
	[sflag:s22] =	ssyncset.done $0x0  }
0xa0: {  	[sflag:s22] =	ssyncadd.s32 s4;
	_ =	sdelay $0x1  }
0xa1: {  	s23 =	simm.s32 $0x1B8B  }
0xa2: {  	_ =	swait.ge [sflag:s23], $0x1  }
0xa3: {  	[sflag:s23] =	ssyncset.done $0x0  }
0xa4: {  	s25 =	simm.s32 $0x1B8E;
	s24 =	sld [smem:$0x3FFE];
	[sflag:s23] =	ssyncadd.s32 $0xFFFFFFFF  }
0xa5: {  	s26 =	simm.s32 $execute0_lowered;
	[smem:$0x3FD2] =	sst s25  }
0xa6: {  	s5 =	sshll.u32 s26, $0x1;
	_ =	strace $0x80000049;
	[dreg:$0x1] =	wrdreg $0xFFFFFFFF  }
0xa7: {  	s28 =	simm.s32 $_size_execute0_lowered;
	s3 =	sadd.s32 s3, s5;
	[dreg:$0x0] =	wrdreg $0x0  }
0xa8: {  	s5 =	sshll.u32 s28, $0x1;
	[dreg:$0x2] =	wrdreg s3  }
0xa9: {  	[dreg:$0x3] =	wrdreg s5  }
0xaa: {  	[dreg:$0x4] =	wrdreg $0xC0  }
0xab: {  	_ =	task [dreg:s7], $0x5FFFF  }
0xac: {  	[dreg:$0x1] =	wrdreg $0xFFFFFFFF  }
0xad: {  	[dreg:$0x0] =	wrdreg $0x60  }
0xae: {  	[dreg:$0x2] =	wrdreg s2  }
0xaf: {  	[dreg:$0x3] =	wrdreg s24  }
0xb0: {  	[dreg:$0x4] =	wrdreg $0x7F000  }
0xb1: {  	[dreg:$0x5] =	wrdreg $0x9  }
0xb2: {  	_ =	task.clear_ibuf [dreg:s7], $0x6FFFF;
	_ =	strace $0x90000049  }
0xb3: {  	s29 =	simm.s32 $0x9;
	_ =	strace $0x8000004B  }
0xb4: {  	_ =	swait.ge [sflag:s29], $0x1  }
0xb5: {  	[sflag:s29] =	ssyncadd.s32 $0xFFFFFFFF  }
0xb6: {  	_ =	strace $0x9000004B  }
0xb7: {  	_ =	sfence  }
0xb8: {  	s30 =	sld [smem:$0x0];
	_ =	sdelay $0x2  }
0xb9: {  	s31 =	sshll.u32 s1, $0xD;
	s1 =	sshrl.u32 s1, $0x2  }
0xba: {  	s3 =	sand.u32 $0x4000, s31;
	s1 =	sadd.s32 s1, s30  }
0xbb: {  	s0 =	sor.u32 s3, s0;
	s1 =	sshll.u32 s1, $0x11  }
0xbc: {  	s0 =	sor.u32 s1, s0  }
0xbd: {  	s0 =	sadd.s32 $0x8F2B, s0  }
0xbe: {  	[sflag:s0] =	ssyncadd.remote.s32 $0x1  }
0xbf: {  	_ =	sfence.sel $0xFFFF  }
0xc0: {  	[dreg:$0x0] =	wrdreg $0xFFFFFFFF;
	(pc) =	sbr.abs _section_cstart, $3  }
0xc1: {  	[dreg:$0x1] =	wrdreg $0xFFFFFFFF  }
0xc2: {  	_ =	task.clear_ibuf [dreg:s7], $0x2FFFF;
	_ =	strace $0x9FFFFFFF  }
0xc3: {  	(tm) =	ssettm $0x7FFFFFFF  }
tec
execute0_lowered:
.L_overlay_start_1:
0x0: {  	(tag) =	ssettag $0x1  }
0x1: {  	s2 =	rddreg [dreg:$0x0]  }
0x2: {  	s0 =	rddreg [dreg:$0x1]  }
0x3: {  	s3 =	rddreg [dreg:$0x2];
	s11 =	stileid.u32;
	s4 =	simm.s32 $0x0  }
0x4: {  	s5 =	srdreg.scid;
	s19 =	simm.s32 $0x100;
	s20 =	simm.s32 $0x2  }
0x5: {  	s28 =	simm.s32 $0x3;
	s29 =	simm.s32 $0x4080;
	s30 =	simm.s32 $0x6  }
0x6: {  	s31 =	simm.s32 $0x5;
	s1 =	smul.u32 $0x14000, s11;
	[smem:$0x7FF] =	sst s4  }
0x7: {  	s5 =	sand.u32 $0x1, s5;
	s17 =	sadd.s32 $0x1E00, s0;
	s22 =	smul.u32 $0x2800, s11  }
0x8: {  	_ =	strace $0x8000004A;
	s7 =	smul.u32 $0x140000, s5;
	s8 =	sshll.u32 s5, $0x4  }
0x9: {  	s9 =	ssub.s32 $0x2, s5;
	s5 =	smul.u32 $0x28000, s5;
	s6 =	sshrl.u32 s1, $0x3  }
0xa: {  	s8 =	sor.u32 s11, s8;
	s10 =	sshrl.u32 s9, $0x1;
	s6 =	sadd.s32 s6, s0  }
0xb: {  	s7 =	sadd.s32 s1, s7;
	s8 =	smul.u32 $0x2800, s8;
	s13 =	ssub.s32 s9, s10  }
0xc: {  	s1 =	sadd.s32 s1, s3;
	s5 =	sadd.s32 s22, s5;
	s22 =	simm.s32 $0x200  }
0xd: {  	s7 =	sshrl.u32 s7, $0x3;
	s6 =	sadd.s32 $0x25000, s6;
	s14 =	sadd.s32 $0x50180, s5  }
0xe: {  	s13 =	smax.u32 s13, $0x1;
	s25 =	sor.u32 $0x180, s5;
	s15 =	sadd.s32 $0x50100, s5  }
0xf: {  	s5 =	sor.u32 $0x100, s5;
	s18 =	sshrl.u32 s1, $0x3;
	s0 =	sadd.s32 s7, s0  }
0x10: {  	s21 =	sshrl.u32 s8, $0x3;
	[dreg:$0x4] =	wrdreg s6;
	s6 =	sshll.u32 s11, $0x6  }
0x11: {  	s24 =	sshrl.u32 s14, $0x3;
	s16 =	sshrl.u32 s15, $0x3;
	s26 =	sshrl.u32 s5, $0x3  }
0x12: {  	s7 =	sadd.s32 s17, s21;
	s23 =	sor.u32 $0x1C01, s6;
	s12 =	sadd.s32 $0x4D000, s0  }
0x13: {  	s14 =	sadd.s32 s24, s17;
	s0 =	sshrl.u32 s25, $0x3;
	s16 =	sadd.s32 s16, s17  }
0x14: {  	s21 =	simm.s32 $0x7D;
	s24 =	simm.s32 $0x180;
	s25 =	simm.s32 $0x1  }
0x15: {  	[dreg:$0x5] =	wrdreg s23;
	s9 =	sadd.s32 $0xA000, s7;
	s10 =	sadd.s32 $0x10, s7  }
0x16: {  	s11 =	sadd.s32 $0xA010, s7;
	s15 =	sadd.s32 s0, s17;
	s17 =	sadd.s32 s26, s17  }
0x17: {  	s23 =	simm.s32 $0x80;
	s26 =	simm.s32 $0x4;
	s0 =	simm.s32 $0x0  }
.LBB2_1:
0x18: {  	s1 =	rddreg [dreg:$0x4]  }
0x19: {  	s5 =	rddreg [dreg:$0x5]  }
0x1a: {  	[spmem:s18], [sflag:s5] =	dma.local [hbm:s1], $0x2800  }
0x1b: {  	[tilespmem:s4], [sflag:$0x2] =	stream.linear.gather [hbm4b:s7+s4], $0x80, $0x38;
	[tilespmem:$0x1BF00] =	vst v63  }
0x1c: {  	_ = 	snop  }
0x1d: {  	[tilespmem:s19], [sflag:$0x2] =	stream.linear.gather [hbm4b:s9+s4], $0x80, $0x38;
	[tilespmem:$0x1BF00] =	vst v63  }
0x1e: {  	_ =	swait.ge [sflag:s20], $0x80  }
0x1f: {  	[sflag:s20] =	ssyncset.done $0x0  }
0x20: {  	[sflag:s20] =	ssyncadd.s32 $0xFFFFFF80  }
0x21: {  	_ =	swait.ge [sflag:s20], $0x80  }
0x22: {  	[sflag:s20] =	ssyncset.done $0x0  }
0x23: {  	[sflag:s20] =	ssyncadd.s32 $0xFFFFFF80  }
0x24: {  	[tilespmem:s22], [sflag:$0x4] =	stream.indirect.gather [hbm4b:s2+s21], $0x80, s4, s21, $0xb8;
	[tilespmem:$0x1BF00] =	vst v63  }
0x25: {  	_ = 	snop  }
0x26: {  	[tilespmem:s23], [sflag:$0x3] =	stream.linear.gather [hbm4b:s10+s4], $0x80, $0x38;
	[tilespmem:$0x1BF00] =	vst v63  }
0x27: {  	_ = 	snop  }
0x28: {  	[tilespmem:s24], [sflag:$0x3] =	stream.linear.gather [hbm4b:s11+s4], $0x80, $0x38;
	[tilespmem:$0x1BF00] =	vst v63  }
0x29: {  	_ =	swait.ge [sflag:s25], $0x2800  }
0x2a: {  	[sflag:s25] =	ssyncset.done $0x0  }
0x2b: {  	[sflag:s25] =	ssyncadd.s32 $0xFFFFD800  }
0x2c: {  	[bflag:$0x0] =	sbarrier.arrive $0xFFFF  }
0x2d: {  	_ =	swait.ge [sflag:s26], $0x3E80  }
0x2e: {  	[sflag:s26] =	ssyncset.done $0x0  }
0x2f: {  	[sflag:s26] =	ssyncadd.s32 $0xFFFFC180  }
0x30: {  	_ =	swait.ge [sflag:s28], $0x80  }
0x31: {  	[sflag:s28] =	ssyncset.done $0x0  }
0x32: {  	[sflag:s28] =	ssyncadd.s32 $0xFFFFFF80  }
0x33: {  	_ =	swait.ge [sflag:s28], $0x80  }
0x34: {  	[sflag:s28] =	ssyncset.done $0x0  }
0x35: {  	[sflag:s28] =	ssyncadd.s32 $0xFFFFFF80  }
0x36: {  	[tilespmem:s29], [sflag:$0x5] =	stream.indirect.gather [hbm4b:s2+s21], $0x80, s23, s21, $0xb8;
	[tilespmem:$0x1BF00] =	vst v63  }
0x37: {  	_ = 	snop  }
0x38: {  	[spmem:s3] =	stream.indirect.scatter.add.f32 [tilespmem:s22], [sflag:$0x6], $0x80, s19, s21, $0xb8;
	[tilespmem:$0x1BF00] =	vst v63  }
0x39: {  	_ =	swait.ge [sflag:s30], $0x3E80  }
0x3a: {  	[sflag:s30] =	ssyncset.done $0x0  }
0x3b: {  	s8 =	sadd.s32 $0x0, s17;
	[sflag:s30] =	ssyncadd.s32 $0xFFFFC180  }
0x3c: {  	[tilespmem:s4], [sflag:$0x2] =	stream.linear.gather [hbm4b:s8+s4], $0x80, $0x38;
	[tilespmem:$0x1BF00] =	vst v63  }
0x3d: {  	s5 =	sadd.s32 $0x0, s16  }
0x3e: {  	[tilespmem:s19], [sflag:$0x2] =	stream.linear.gather [hbm4b:s5+s4], $0x80, $0x38;
	[tilespmem:$0x1BF00] =	vst v63  }
0x3f: {  	_ =	swait.ge [sflag:s31], $0x3E80  }
0x40: {  	[sflag:s31] =	ssyncset.done $0x0  }
0x41: {  	[sflag:s31] =	ssyncadd.s32 $0xFFFFC180  }
0x42: {  	_ =	swait.ge [sflag:s20], $0x80  }
0x43: {  	[sflag:s20] =	ssyncset.done $0x0  }
0x44: {  	[sflag:s20] =	ssyncadd.s32 $0xFFFFFF80  }
0x45: {  	_ =	swait.ge [sflag:s20], $0x80  }
0x46: {  	[sflag:s20] =	ssyncset.done $0x0  }
0x47: {  	[sflag:s20] =	ssyncadd.s32 $0xFFFFFF80  }
0x48: {  	[tilespmem:s22], [sflag:$0x4] =	stream.indirect.gather [hbm4b:s2+s21], $0x80, s4, s21, $0xb8;
	[tilespmem:$0x1BF00] =	vst v63  }
0x49: {  	_ = 	snop  }
0x4a: {  	[spmem:s3] =	stream.indirect.scatter.add.f32 [tilespmem:s29], [sflag:$0x6], $0x80, s24, s21, $0xb8;
	[tilespmem:$0x1BF00] =	vst v63  }
0x4b: {  	_ =	swait.ge [sflag:s30], $0x3E80  }
0x4c: {  	s1 =	simm.s32 $0x20;
	[sflag:s30] =	ssyncset.done $0x0  }
0x4d: {  	s8 =	sadd.s32 $0x0, s15;
	s5 =	sadd.s32 $0x0, s14;
	[sflag:s30] =	ssyncadd.s32 $0xFFFFC180  }
0x4e: {  	[tilespmem:s23], [sflag:$0x3] =	stream.linear.gather [hbm4b:s8+s4], $0x80, $0x38;
	[tilespmem:$0x1BF00] =	vst v63  }
.LBB2_2:
0x4f: {  	[tilespmem:s24], [sflag:$0x3] =	stream.linear.gather [hbm4b:s5+s4], $0x80, $0x38;
	[tilespmem:$0x1BF00] =	vst v63  }
0x50: {  	s5 =	smov.u32 s1  }
0x51: {  	p0 =	sne.s32 s1, $0x4C0;
	s1 =	sadd.s32 $0x20, s1;
	_ =	swait.ge [sflag:s26], $0x3E80  }
0x52: {  	[sflag:s26] =	ssyncset.done $0x0  }
0x53: {  	[sflag:s26] =	ssyncadd.s32 $0xFFFFC180  }
0x54: {  	_ =	swait.ge [sflag:s28], $0x80  }
0x55: {  	[sflag:s28] =	ssyncset.done $0x0  }
0x56: {  	[sflag:s28] =	ssyncadd.s32 $0xFFFFFF80  }
0x57: {  	_ =	swait.ge [sflag:s28], $0x80  }
0x58: {  	[sflag:s28] =	ssyncset.done $0x0  }
0x59: {  	[sflag:s28] =	ssyncadd.s32 $0xFFFFFF80  }
0x5a: {  	[tilespmem:s29], [sflag:$0x5] =	stream.indirect.gather [hbm4b:s2+s21], $0x80, s23, s21, $0xb8;
	[tilespmem:$0x1BF00] =	vst v63  }
0x5b: {  	_ = 	snop  }
0x5c: {  	[spmem:s3] =	stream.indirect.scatter.add.f32 [tilespmem:s22], [sflag:$0x6], $0x80, s19, s21, $0xb8;
	[tilespmem:$0x1BF00] =	vst v63  }
0x5d: {  	_ =	swait.ge [sflag:s30], $0x3E80  }
0x5e: {  	[sflag:s30] =	ssyncset.done $0x0  }
0x5f: {  	s8 =	sadd.s32 s5, s17;
	[sflag:s30] =	ssyncadd.s32 $0xFFFFC180  }
0x60: {  	[tilespmem:s4], [sflag:$0x2] =	stream.linear.gather [hbm4b:s8+s4], $0x80, $0x38;
	[tilespmem:$0x1BF00] =	vst v63  }
0x61: {  	s8 =	sadd.s32 s5, s16  }
0x62: {  	[tilespmem:s19], [sflag:$0x2] =	stream.linear.gather [hbm4b:s8+s4], $0x80, $0x38;
	[tilespmem:$0x1BF00] =	vst v63  }
0x63: {  	_ =	swait.ge [sflag:s31], $0x3E80  }
0x64: {  	[sflag:s31] =	ssyncset.done $0x0  }
0x65: {  	[sflag:s31] =	ssyncadd.s32 $0xFFFFC180  }
0x66: {  	_ =	swait.ge [sflag:s20], $0x80  }
0x67: {  	[sflag:s20] =	ssyncset.done $0x0  }
0x68: {  	[sflag:s20] =	ssyncadd.s32 $0xFFFFFF80  }
0x69: {  	_ =	swait.ge [sflag:s20], $0x80  }
0x6a: {  	[sflag:s20] =	ssyncset.done $0x0  }
0x6b: {  	[sflag:s20] =	ssyncadd.s32 $0xFFFFFF80  }
0x6c: {  	[tilespmem:s22], [sflag:$0x4] =	stream.indirect.gather [hbm4b:s2+s21], $0x80, s4, s21, $0xb8;
	[tilespmem:$0x1BF00] =	vst v63  }
0x6d: {  	_ = 	snop  }
0x6e: {  	[spmem:s3] =	stream.indirect.scatter.add.f32 [tilespmem:s29], [sflag:$0x6], $0x80, s24, s21, $0xb8;
	[tilespmem:$0x1BF00] =	vst v63  }
.Ltmp0:
0x6f: {  	_ =	swait.ge [sflag:s30], $0x3E80;
	(pc) =	sbr.rel @p0 .LBB2_2-.Ltmp0, $4  }
0x70: {  	[sflag:s30] =	ssyncset.done $0x0  }
0x71: {  	s8 =	sadd.s32 s5, s15;
	[sflag:s30] =	ssyncadd.s32 $0xFFFFC180  }
0x72: {  	[tilespmem:s23], [sflag:$0x3] =	stream.linear.gather [hbm4b:s8+s4], $0x80, $0x38;
	[tilespmem:$0x1BF00] =	vst v63  }
0x73: {  	s5 =	sadd.s32 s5, s14  }
0x74: {  	[tilespmem:s24], [sflag:$0x3] =	stream.linear.gather [hbm4b:s5+s4], $0x80, $0x38;
	[tilespmem:$0x1BF00] =	vst v63  }
0x75: {  	_ =	swait.ge [sflag:s26], $0x3E80  }
0x76: {  	[sflag:s26] =	ssyncset.done $0x0  }
0x77: {  	[sflag:s26] =	ssyncadd.s32 $0xFFFFC180  }
0x78: {  	_ =	swait.ge [sflag:s28], $0x80  }
0x79: {  	[sflag:s28] =	ssyncset.done $0x0  }
0x7a: {  	[sflag:s28] =	ssyncadd.s32 $0xFFFFFF80  }
0x7b: {  	_ =	swait.ge [sflag:s28], $0x80  }
0x7c: {  	[sflag:s28] =	ssyncset.done $0x0  }
0x7d: {  	[sflag:s28] =	ssyncadd.s32 $0xFFFFFF80  }
0x7e: {  	[tilespmem:s29], [sflag:$0x5] =	stream.indirect.gather [hbm4b:s2+s21], $0x80, s23, s21, $0xb8;
	[tilespmem:$0x1BF00] =	vst v63  }
0x7f: {  	_ = 	snop  }
0x80: {  	[spmem:s3] =	stream.indirect.scatter.add.f32 [tilespmem:s22], [sflag:$0x6], $0x80, s19, s21, $0xb8;
	[tilespmem:$0x1BF00] =	vst v63  }
0x81: {  	_ =	swait.ge [sflag:s30], $0x3E80  }
0x82: {  	[sflag:s30] =	ssyncset.done $0x0  }
0x83: {  	[sflag:s30] =	ssyncadd.s32 $0xFFFFC180  }
0x84: {  	_ =	swait.ge [sflag:s31], $0x3E80  }
0x85: {  	[sflag:s31] =	ssyncset.done $0x0  }
0x86: {  	[sflag:s31] =	ssyncadd.s32 $0xFFFFC180  }
0x87: {  	[spmem:s3] =	stream.indirect.scatter.add.f32 [tilespmem:s29], [sflag:$0x6], $0x80, s24, s21, $0xb8;
	[tilespmem:$0x1BF00] =	vst v63  }
0x88: {  	_ =	swait.ge [sflag:s30], $0x3E80  }
0x89: {  	s0 =	sadd.s32 $0x1, s0;
	[sflag:s30] =	ssyncset.done $0x0  }
0x8a: {  	p0 =	sne.s32 s0, s13;
	[sflag:s30] =	ssyncadd.s32 $0xFFFFC180  }
.Ltmp1:
0x8b: {  	s1 =	sor.u32 $0x1C06, s6;
	[bflag:$0x0] =	sbarrier.arrive $0xFFFF;
	(pc) =	sbr.rel @p0 .LBB2_1-.Ltmp1, $4  }
0x8c: {  	[hbm:s12], [sflag:s1] =	dma.local [spmem:s18], $0x2800  }
0x8d: {  	_ =	swait.ge [sflag:s30], $0x2800  }
0x8e: {  	[sflag:s30] =	ssyncset.done $0x0  }
0x8f: {  	[sflag:s30] =	ssyncadd.s32 $0xFFFFD800  }
0x90: {  	_ =	sfence.sel $0x180000  }
0x91: {  	[bflag:$0x0] =	sbarrier.arrive $0xFFFF  }
0x92: {  	_ =	strace $0x9000004A  }
0x93: {  	s0 =	stileid.u32;
	[bflag:$0x2] =	sbarrier.arrive $0xFFFF  }
0x94: {  	p0 =	sne.s32 s0, $0x0;
	s0 =	rddreg [dreg:$0x3]  }
0x95: {  	s0 =	sadd.s32 @!p0 $0x100000, s0  }
0x96: {  	[sflag:s0] =	ssyncadd.tile.s32 @!p0 $0x1;
	_ =	shalt  }
.Lfunc_end2:
_tile_overlayer_lowered:
.L_overlay_start_2:
0x97: {  	(tag) =	ssettag $0x2  }
0x98: {  	s0 =	rddreg [dreg:$0x0];
	s2 =	stileid.u32  }
0x99: {  	s1 =	rddreg [dreg:$0x1];
	p0 =	sne.s32 s2, $0x0  }
0x9a: {  	s3 =	rddreg [dreg:$0x2];
	[bflag:$0x3] =	sbarrier.arrive $0xFFFF;
	s2 =	simm.s32 @!p0 $0x1C06  }
0x9b: {  	[timem:s3], [sflag:s2] =	dma.local @!p0 [hbm:s0], s1  }
0x9c: {  	s0 =	simm.s32 @!p0 $0x6  }
0x9d: {  	_ =	swait.ge @!p0 [sflag:s0], s1  }
0x9e: {  	s1 =	ssub.s32 @!p0 $0x0, s1;
	[sflag:s0] =	ssyncset.done @!p0 $0x0  }
0x9f: {  	[sflag:s0] =	ssyncadd.s32 @!p0 s1  }
0xa0: {  	[bflag:$0x3] =	sbarrier.arrive $0xFFFF  }
0xa1: {  	_ =	shalt  }

</sc_bundles>
